<compile_context>
chip_gen: v7x
topology: tpu7x:2x2x1
jax: 0.10.2.dev20260603
libtpu: 0.0.44.dev20260713+nightly
codegen_flags: <defaults>
</compile_context>

<pallas_src>
import dataclasses

import jax
import jax.numpy as jnp
from jax import lax
from jax.experimental import pallas as pl
from jax.experimental.pallas import tpu as pltpu
from jax.experimental.pallas import tpu_sc as plsc

N = 10000
E = 160000
D = 256
DH = 128
DW = 16

CH = 128
NCH = 1280
EPAD = NCH * CH
PADN = EPAD - E
NC = 2
NS = 16
ACC_ROWS = 10240
ROWS_PER_SUB = ACC_ROWS // NS

_mesh = plsc.VectorSubcoreMesh(core_axis_name="c", subcore_axis_name="s")


def _deg_kernel(dst_hbm, deg_hbm, didx, hist, tmp, acc640, exp, stage):
  c = lax.axis_index("c")
  s = lax.axis_index("s")
  w = c * NS + s
  Q = NCH // (NC * NS)
  ones16 = jnp.ones((16,), jnp.float32)

  @pl.loop(0, ACC_ROWS // 16)
  def _(i):
    hist[pl.ds(i * 16, 16)] = jnp.zeros((16,), jnp.float32)

  pltpu.sync_copy(dst_hbm.at[pl.ds(w * Q, Q)], didx)

  @pl.loop(0, Q)
  def _(j):
    @pl.loop(0, CH // 16)
    def _(k):
      iv = didx[j, pl.ds(k * 16, 16)]
      plsc.addupdate_scatter(hist, [iv], ones16)

  pltpu.sync_copy(hist, stage.at[s])
  plsc.subcore_barrier()

  pltpu.sync_copy(stage.at[0, pl.ds(s * ROWS_PER_SUB, ROWS_PER_SUB)], acc640)

  @pl.loop(1, NS)
  def _(hh):
    pltpu.sync_copy(stage.at[hh, pl.ds(s * ROWS_PER_SUB, ROWS_PER_SUB)], tmp)

    @pl.loop(0, ROWS_PER_SUB // 16)
    def _(v):
      acc640[pl.ds(v * 16, 16)] = (acc640[pl.ds(v * 16, 16)]
                                   + tmp[pl.ds(v * 16, 16)])

  iota16 = lax.iota(jnp.int32, 16)
  zeros16i = jnp.zeros((16,), jnp.int32)

  @pl.loop(0, ROWS_PER_SUB // CH)
  def _(r5):
    @pl.loop(0, CH // 16)
    def _(k):
      vals = acc640[pl.ds(r5 * CH + k * 16, 16)]
      plsc.store_scatter(exp, [iota16 + k * 16, zeros16i], vals)
    pltpu.sync_copy(exp, deg_hbm.at[c, pl.ds(s * ROWS_PER_SUB + r5 * CH, CH)])


def _scatter_kernel(src_hbm, dst_hbm, h2_hbm, out_hbm,
                    sidx, didx, rowsA, rowsB, acc,
                    semGA, semGB, semSA, semSB):
  c = lax.axis_index("c")
  s = lax.axis_index("s")
  P = NCH // NS

  @pl.loop(0, CH)
  def _(i):
    @pl.loop(0, DH // 16)
    def _(k):
      rowsA[i, pl.ds(k * 16, 16)] = jnp.zeros((16,), jnp.float32)

  @pl.loop(0, ROWS_PER_SUB // CH)
  def _(j):
    pltpu.sync_copy(rowsA, acc.at[pl.ds(s * ROWS_PER_SUB + j * CH, CH)])

  plsc.subcore_barrier()

  srcv = src_hbm
  dstv = dst_hbm
  h2c = h2_hbm.at[c]

  def wait_g(buf, sem):
    pltpu.make_async_copy(h2c.at[sidx.at[0]], buf, sem).wait()

  def wait_s(buf, sem):
    pltpu.make_async_copy(buf, acc.at[didx.at[0]], sem).wait()

  P2 = P // 2

  @pl.loop(0, 2)
  def _(p):
    base = s * P + p * P2
    pltpu.sync_copy(srcv.at[pl.ds(base, P2)], sidx)
    pltpu.sync_copy(dstv.at[pl.ds(base, P2)], didx)
    pltpu.async_copy(h2c.at[sidx.at[0]], rowsA, semGA)
    pltpu.async_copy(h2c.at[sidx.at[1]], rowsB, semGB)

    @pl.loop(0, P2 // 2)
    def _(it):
      j0 = 2 * it
      wait_g(rowsA, semGA)
      pltpu.async_copy(rowsA, acc.at[didx.at[j0]], semSA, add=True)
      wait_g(rowsB, semGB)
      pltpu.async_copy(rowsB, acc.at[didx.at[j0 + 1]], semSB, add=True)

      @pl.when(j0 + 2 < P2)
      def _():
        wait_s(rowsA, semSA)
        pltpu.async_copy(h2c.at[sidx.at[j0 + 2]], rowsA, semGA)
        wait_s(rowsB, semSB)
        pltpu.async_copy(h2c.at[sidx.at[j0 + 3]], rowsB, semGB)

    wait_s(rowsA, semSA)
    wait_s(rowsB, semSB)

  plsc.subcore_barrier()
  pltpu.sync_copy(acc.at[pl.ds(s * ROWS_PER_SUB, ROWS_PER_SUB)],
                  out_hbm.at[c, pl.ds(s * ROWS_PER_SUB, ROWS_PER_SUB)])


def _matmul_body(x_ref, w_ref, o_ref):
  o_ref[...] = jnp.dot(x_ref[...], w_ref[...],
                       preferred_element_type=jnp.float32)


def _scale_split_body(h_ref, d_ref, o_ref):
  deg = d_ref[0, :, :1] + d_ref[1, :, :1] + 1.0
  dinv = lax.rsqrt(deg)
  o_ref[0] = h_ref[:, :DH] * dinv
  o_ref[1] = h_ref[:, DH:] * dinv


def _finish_body(a_ref, h2_ref, d_ref, b_ref, o_ref):
  deg = d_ref[0, :, :1] + d_ref[1, :, :1] + 1.0
  dinv = lax.rsqrt(deg)
  o_ref[:, :DH] = (a_ref[0] + h2_ref[0]) * dinv + b_ref[0, :DH]
  o_ref[:, DH:] = (a_ref[1] + h2_ref[1]) * dinv + b_ref[0, DH:]


def kernel(x, edge_index, W, b):
  src = edge_index[0].astype(jnp.int32)
  dst = edge_index[1].astype(jnp.int32)
  src_p = jnp.concatenate([src, jnp.zeros((PADN,), jnp.int32)])
  dst_p = jnp.concatenate([dst, jnp.full((PADN,), N, jnp.int32)])
  src2d = src_p.reshape(NCH, CH)
  dst2d = dst_p.reshape(NCH, CH)

  cp = pltpu.CompilerParams()
  if "needs_layout_passes" in pltpu.CompilerParams.__dataclass_fields__:
    cp = dataclasses.replace(cp, needs_layout_passes=False)
  deg_fn = pl.kernel(
      _deg_kernel,
      out_type=jax.ShapeDtypeStruct((NC, ACC_ROWS, DW), jnp.float32),
      mesh=_mesh,
      compiler_params=cp,
      scratch_types=[
          pltpu.VMEM((NCH // (NC * NS), CH), jnp.int32),
          pltpu.VMEM((ACC_ROWS,), jnp.float32),
          pltpu.VMEM((ROWS_PER_SUB,), jnp.float32),
          pltpu.VMEM((ROWS_PER_SUB,), jnp.float32),
          pltpu.VMEM((CH, DW), jnp.float32),
          pltpu.VMEM_SHARED((NS, ACC_ROWS), jnp.float32),
      ],
  )
  degp = deg_fn(dst2d)

  RB = 2000
  h = pl.pallas_call(
      _matmul_body,
      grid=(N // RB,),
      in_specs=[pl.BlockSpec((RB, D), lambda i: (i, 0)),
                pl.BlockSpec((D, D), lambda i: (0, 0))],
      out_specs=pl.BlockSpec((RB, D), lambda i: (i, 0)),
      out_shape=jax.ShapeDtypeStruct((N, D), jnp.float32),
  )(x, W)

  h2 = pl.pallas_call(
      _scale_split_body,
      grid=(N // RB,),
      in_specs=[pl.BlockSpec((RB, D), lambda i: (i, 0)),
                pl.BlockSpec((NC, RB, DW), lambda i: (0, i, 0))],
      out_specs=pl.BlockSpec((NC, RB, DH), lambda i: (0, i, 0)),
      out_shape=jax.ShapeDtypeStruct((NC, N, DH), jnp.float32),
  )(h, degp)

  scat_fn = pl.kernel(
      _scatter_kernel,
      out_type=jax.ShapeDtypeStruct((NC, ACC_ROWS, DH), jnp.float32),
      mesh=_mesh,
      scratch_types=[
          pltpu.VMEM((NCH // NS // 2, CH), jnp.int32),
          pltpu.VMEM((NCH // NS // 2, CH), jnp.int32),
          pltpu.VMEM((CH, DH), jnp.float32),
          pltpu.VMEM((CH, DH), jnp.float32),
          pltpu.VMEM_SHARED((ACC_ROWS, DH), jnp.float32),
          pltpu.SemaphoreType.DMA,
          pltpu.SemaphoreType.DMA,
          pltpu.SemaphoreType.DMA,
          pltpu.SemaphoreType.DMA,
      ],
  )
  acc = scat_fn(src2d, dst2d, h2)

  b2 = b.reshape(1, D)
  out = pl.pallas_call(
      _finish_body,
      grid=(N // RB,),
      in_specs=[pl.BlockSpec((NC, RB, DH), lambda i: (0, i, 0)),
                pl.BlockSpec((NC, RB, DH), lambda i: (0, i, 0)),
                pl.BlockSpec((NC, RB, DW), lambda i: (0, i, 0)),
                pl.BlockSpec((1, D), lambda i: (0, 0))],
      out_specs=pl.BlockSpec((RB, D), lambda i: (i, 0)),
      out_shape=jax.ShapeDtypeStruct((N, D), jnp.float32),
  )(acc, h2, degp, b2)
  return out

# --- scband reference (transcript-rebuilt; emitter-appended) ---
"""Pipeline reference for scband-gcnconv-14190571946085 (READ-ONLY COPY).

The authoritative reference and input builder live on the scoring server;
editing this copy changes nothing except your own understanding.
"""

import jax, jax.numpy as jnp
import numpy as np

N_NODES = 10000
N_EDGES = 160000
D_IN = 256
D_OUT = 256


def setup_inputs(seed: int = 0) -> dict:
    key = jax.random.key(seed)
    k_x, k_e, k_w, k_b = jax.random.split(key, 4)
    x = jax.random.normal(k_x, (N_NODES, D_IN), dtype=jnp.float32)
    edge_index = jax.random.randint(k_e, (2, N_EDGES), 0, N_NODES, dtype=jnp.int64)
    # Glorot init for the linear weight, like PyG GCNConv's lin (bias-free linear,
    # separate additive bias applied after aggregation).
    limit = float(np.sqrt(6.0 / (D_IN + D_OUT)))
    W = jax.random.uniform(k_w, (D_IN, D_OUT), minval=-limit, maxval=limit, dtype=jnp.float32)
    b = jnp.zeros((D_OUT,), dtype=jnp.float32)
    return {"x": x, "edge_index": edge_index, "W": W, "b": b}


def reference(x, edge_index, W, b):
    """Faithful JAX port of torch_geometric.nn.GCNConv forward:
       1) h = x @ W (bias-free linear)
       2) add self-loops
       3) symmetric normalization deg^-1/2 A_hat deg^-1/2
       4) scatter-add aggregation over destination nodes
       5) add bias
    """
    N = x.shape[0]
    src = edge_index[0]
    dst = edge_index[1]
    # add self loops
    loop = jnp.arange(N, dtype=src.dtype)
    src = jnp.concatenate([src, loop], axis=0)
    dst = jnp.concatenate([dst, loop], axis=0)

    h = x @ W  # [N, D_OUT]

    # degree of destination nodes (edge_weight = 1), incl. self loops
    deg = jnp.zeros((N,), dtype=h.dtype).at[dst].add(1.0)
    deg_inv_sqrt = jnp.where(deg > 0, deg ** -0.5, 0.0)
    norm = deg_inv_sqrt[src] * deg_inv_sqrt[dst]  # [E+N]

    msg = h[src] * norm[:, None]  # gather + scale
    out = jnp.zeros((N, h.shape[1]), dtype=h.dtype).at[dst].add(msg)  # scatter-add
    return out + b

if __name__ == "__main__":
    import jax
    _d = setup_inputs()
    print(jax.jit(kernel)(*tuple(_d.values())))

</pallas_src>

<mosaic_0001>
#map = affine_map<(d0, d1) -> (0, 0)>
#map1 = affine_map<(d0, d1) -> (0, 0, 0)>
module attributes {stable_mosaic.version = 14 : i64} {
  func.func @_deg_kernel(%arg0: i32, %arg1: i32, %arg2: memref<1280x128xi32, #tpu.memory_space<hbm>>, %arg3: memref<2x10240x16xf32, #tpu.memory_space<hbm>>, %arg4: memref<40x128xi32, #tpu.memory_space<vmem>>, %arg5: memref<10240xf32, #tpu.memory_space<vmem>>, %arg6: memref<640xf32, #tpu.memory_space<vmem>>, %arg7: memref<640xf32, #tpu.memory_space<vmem>>, %arg8: memref<128x16xf32, #tpu.memory_space<vmem>>, %arg9: memref<16x10240xf32, #tpu.memory_space<vmem_shared>>) attributes {dimension_semantics = [#tpu.dimension_semantics<core_parallel>, #tpu.dimension_semantics<subcore_parallel>], iteration_bounds = array<i64: 2, 16>, scalar_prefetch = 0 : i64, scratch_operands = 6 : i64, tpu.core_type = #tpu.core_type<sc_vector_subcore>, window_params = [{transform_indices = #map}, {transform_indices = #map1}]} {
    %mul3A = arith.constant 16 : i32
    %mul3A_0 = arith.muli %arg0, %mul3A : i32
    %add3A = arith.addi %mul3A_0, %arg1 : i32
    %broadcast_in_dim3A = arith.constant 1.000000e+00 : f32
    %broadcast_in_dim3A_1 = vector.broadcast %broadcast_in_dim3A : f32 to vector<16xf32>
    %scan3A = arith.constant 0 : i32
    %scan3A_2 = arith.constant 640 : i32
    %scan3A_3 = arith.addi %scan3A, %scan3A_2 : i32
    %scan3A_4 = arith.constant 1 : i32
    scf.for %scan3A_27 = %scan3A to %scan3A_3 step %scan3A_4  : i32 {
      %mul3A_28 = arith.constant 1 : i32
      %mul3A_29 = arith.muli %scan3A_27, %mul3A_28 : i32
      %add3A_30 = arith.constant 0 : i32
      %add3A_31 = arith.addi %add3A_30, %mul3A_29 : i32
      %broadcast_in_dim3A_32 = arith.constant 0.000000e+00 : f32
      %broadcast_in_dim3A_33 = vector.broadcast %broadcast_in_dim3A_32 : f32 to vector<16xf32>
      %mul3A_34 = arith.constant 16 : i32
      %mul3A_35 = arith.muli %add3A_31, %mul3A_34 : i32
      %swap3A = arith.index_cast %mul3A_35 : i32 to index
      %swap3A_36 = tpu.vector_load %arg5[%swap3A] {strides = array<i32>} : memref<10240xf32, #tpu.memory_space<vmem>>, vector<16xf32>,
      tpu.vector_store %arg5[%swap3A], %broadcast_in_dim3A_33 {strides = array<i32>} : memref<10240xf32, #tpu.memory_space<vmem>>, vector<16xf32>,
    }
    %scan3A_5 = arith.constant 640 : i32
    %mul3A_6 = arith.constant 40 : i32
    %mul3A_7 = arith.muli %add3A, %mul3A_6 : i32
    "tpu.region"() ({
      %run_scoped3A_27 = tpu.sem_alloc : memref<!tpu.dma_semaphore, #tpu.memory_space<semaphore_mem>>
      %dma_start3A = arith.constant 0 : i32
      %dma_start3A_28 = tpu.memref_slice %arg2[%mul3A_7, %dma_start3A] : memref<1280x128xi32, #tpu.memory_space<hbm>> -> memref<40x128xi32, #tpu.memory_space<hbm>>
      %dma_start3A_29 = arith.constant 0 : i32
      %dma_start3A_30 = tpu.memref_slice %arg2[%mul3A_7, %dma_start3A_29] : memref<1280x128xi32, #tpu.memory_space<hbm>> -> memref<40x128xi32, #tpu.memory_space<hbm>>
      tpu.enqueue_dma source(%dma_start3A_30 : memref<40x128xi32, #tpu.memory_space<hbm>>) target(%arg4 : memref<40x128xi32, #tpu.memory_space<vmem>>) target_semaphore(%run_scoped3A_27 : memref<!tpu.dma_semaphore, #tpu.memory_space<semaphore_mem>>)
      %dma_wait3A = arith.constant 0 : i32
      %dma_wait3A_31 = tpu.memref_slice %arg2[%mul3A_7, %dma_wait3A] : memref<1280x128xi32, #tpu.memory_space<hbm>> -> memref<40x128xi32, #tpu.memory_space<hbm>>
      %dma_wait3A_32 = arith.constant 0 : i32
      %dma_wait3A_33 = tpu.memref_slice %arg2[%mul3A_7, %dma_wait3A_32] : memref<1280x128xi32, #tpu.memory_space<hbm>> -> memref<40x128xi32, #tpu.memory_space<hbm>>
      tpu.wait_dma2 semaphore(%run_scoped3A_27 : memref<!tpu.dma_semaphore, #tpu.memory_space<semaphore_mem>>) src(%dma_wait3A_33 : memref<40x128xi32, #tpu.memory_space<hbm>>) dst(%arg4 : memref<40x128xi32, #tpu.memory_space<vmem>>)
      tpu.yield
    }) : () -> ()
    %scan3A_8 = arith.constant 0 : i32
    %scan3A_9 = arith.constant 40 : i32
    %scan3A_10 = arith.addi %scan3A_8, %scan3A_9 : i32
    %scan3A_11 = arith.constant 1 : i32
    scf.for %scan3A_27 = %scan3A_8 to %scan3A_10 step %scan3A_11  : i32 {
      %mul3A_28 = arith.constant 1 : i32
      %mul3A_29 = arith.muli %scan3A_27, %mul3A_28 : i32
      %add3A_30 = arith.constant 0 : i32
      %add3A_31 = arith.addi %add3A_30, %mul3A_29 : i32
      %scan3A_32 = arith.constant 0 : i32
      %scan3A_33 = arith.constant 8 : i32
      %scan3A_34 = arith.addi %scan3A_32, %scan3A_33 : i32
      %scan3A_35 = arith.constant 1 : i32
      scf.for %scan3A_37 = %scan3A_32 to %scan3A_34 step %scan3A_35  : i32 {
        %mul3A_38 = arith.constant 1 : i32
        %mul3A_39 = arith.muli %scan3A_37, %mul3A_38 : i32
        %add3A_40 = arith.constant 0 : i32
        %add3A_41 = arith.addi %add3A_40, %mul3A_39 : i32
        %mul3A_42 = arith.constant 16 : i32
        %mul3A_43 = arith.muli %add3A_41, %mul3A_42 : i32
        %get3A = arith.index_cast %add3A_31 : i32 to index
        %get3A_44 = arith.index_cast %mul3A_43 : i32 to index
        %get3A_45 = tpu.vector_load %arg4[%get3A, %get3A_44] {strides = array<i32>} : memref<40x128xi32, #tpu.memory_space<vmem>>, vector<16xi32>,
        tpu.vector_store_idx %arg5[%get3A_45], %broadcast_in_dim3A_1 {add = true} : memref<10240xf32, #tpu.memory_space<vmem>>[vector<16xi32>], vector<16xf32>,
      }
      %scan3A_36 = arith.constant 8 : i32
    }
    %scan3A_12 = arith.constant 40 : i32
    "tpu.region"() ({
      %run_scoped3A_27 = tpu.sem_alloc : memref<!tpu.dma_semaphore, #tpu.memory_space<semaphore_mem>>
      %dma_start3A = arith.constant 0 : i32
      %dma_start3A_28 = tpu.memref_slice %arg9[%arg1, %dma_start3A] : memref<16x10240xf32, #tpu.memory_space<vmem_shared>> -> memref<1x10240xf32, #tpu.memory_space<vmem_shared>>
      %dma_start3A_29 = tpu.memref_squeeze %dma_start3A_28 : memref<1x10240xf32, #tpu.memory_space<vmem_shared>> -> memref<10240xf32, #tpu.memory_space<vmem_shared>>
      %dma_start3A_30 = arith.constant 0 : i32
      %dma_start3A_31 = tpu.memref_slice %arg9[%arg1, %dma_start3A_30] : memref<16x10240xf32, #tpu.memory_space<vmem_shared>> -> memref<1x10240xf32, #tpu.memory_space<vmem_shared>>
      %dma_start3A_32 = tpu.memref_squeeze %dma_start3A_31 : memref<1x10240xf32, #tpu.memory_space<vmem_shared>> -> memref<10240xf32, #tpu.memory_space<vmem_shared>>
      tpu.enqueue_dma source(%arg5 : memref<10240xf32, #tpu.memory_space<vmem>>) target(%dma_start3A_32 : memref<10240xf32, #tpu.memory_space<vmem_shared>>) target_semaphore(%run_scoped3A_27 : memref<!tpu.dma_semaphore, #tpu.memory_space<semaphore_mem>>)
      %dma_wait3A = arith.constant 0 : i32
      %dma_wait3A_33 = tpu.memref_slice %arg9[%arg1, %dma_wait3A] : memref<16x10240xf32, #tpu.memory_space<vmem_shared>> -> memref<1x10240xf32, #tpu.memory_space<vmem_shared>>
      %dma_wait3A_34 = tpu.memref_squeeze %dma_wait3A_33 : memref<1x10240xf32, #tpu.memory_space<vmem_shared>> -> memref<10240xf32, #tpu.memory_space<vmem_shared>>
      %dma_wait3A_35 = arith.constant 0 : i32
      %dma_wait3A_36 = tpu.memref_slice %arg9[%arg1, %dma_wait3A_35] : memref<16x10240xf32, #tpu.memory_space<vmem_shared>> -> memref<1x10240xf32, #tpu.memory_space<vmem_shared>>
      %dma_wait3A_37 = tpu.memref_squeeze %dma_wait3A_36 : memref<1x10240xf32, #tpu.memory_space<vmem_shared>> -> memref<10240xf32, #tpu.memory_space<vmem_shared>>
      tpu.wait_dma2 semaphore(%run_scoped3A_27 : memref<!tpu.dma_semaphore, #tpu.memory_space<semaphore_mem>>) src(%arg5 : memref<10240xf32, #tpu.memory_space<vmem>>) dst(%dma_wait3A_37 : memref<10240xf32, #tpu.memory_space<vmem_shared>>)
      tpu.yield
    }) : () -> ()
    %barrier3A = arith.constant 0 : index
    tpu.barrier barrier_id(%barrier3A)
    %mul3A_13 = arith.constant 640 : i32
    %mul3A_14 = arith.muli %arg1, %mul3A_13 : i32
    %run_scoped3A = arith.constant 0 : i32
    "tpu.region"() ({
      %run_scoped3A_27 = tpu.sem_alloc : memref<!tpu.dma_semaphore, #tpu.memory_space<semaphore_mem>>
      %dma_start3A = tpu.memref_slice %arg9[%run_scoped3A, %mul3A_14] : memref<16x10240xf32, #tpu.memory_space<vmem_shared>> -> memref<1x640xf32, #tpu.memory_space<vmem_shared>>
      %dma_start3A_28 = tpu.memref_squeeze %dma_start3A : memref<1x640xf32, #tpu.memory_space<vmem_shared>> -> memref<640xf32, #tpu.memory_space<vmem_shared>>
      %dma_start3A_29 = tpu.memref_slice %arg9[%run_scoped3A, %mul3A_14] : memref<16x10240xf32, #tpu.memory_space<vmem_shared>> -> memref<1x640xf32, #tpu.memory_space<vmem_shared>>
      %dma_start3A_30 = tpu.memref_squeeze %dma_start3A_29 : memref<1x640xf32, #tpu.memory_space<vmem_shared>> -> memref<640xf32, #tpu.memory_space<vmem_shared>>
      tpu.enqueue_dma source(%dma_start3A_30 : memref<640xf32, #tpu.memory_space<vmem_shared>>) target(%arg7 : memref<640xf32, #tpu.memory_space<vmem>>) target_semaphore(%run_scoped3A_27 : memref<!tpu.dma_semaphore, #tpu.memory_space<semaphore_mem>>)
      %dma_wait3A = tpu.memref_slice %arg9[%run_scoped3A, %mul3A_14] : memref<16x10240xf32, #tpu.memory_space<vmem_shared>> -> memref<1x640xf32, #tpu.memory_space<vmem_shared>>
      %dma_wait3A_31 = tpu.memref_squeeze %dma_wait3A : memref<1x640xf32, #tpu.memory_space<vmem_shared>> -> memref<640xf32, #tpu.memory_space<vmem_shared>>
      %dma_wait3A_32 = tpu.memref_slice %arg9[%run_scoped3A, %mul3A_14] : memref<16x10240xf32, #tpu.memory_space<vmem_shared>> -> memref<1x640xf32, #tpu.memory_space<vmem_shared>>
      %dma_wait3A_33 = tpu.memref_squeeze %dma_wait3A_32 : memref<1x640xf32, #tpu.memory_space<vmem_shared>> -> memref<640xf32, #tpu.memory_space<vmem_shared>>
      tpu.wait_dma2 semaphore(%run_scoped3A_27 : memref<!tpu.dma_semaphore, #tpu.memory_space<semaphore_mem>>) src(%dma_wait3A_33 : memref<640xf32, #tpu.memory_space<vmem_shared>>) dst(%arg7 : memref<640xf32, #tpu.memory_space<vmem>>)
      tpu.yield
    }) : () -> ()
    %scan3A_15 = arith.constant 0 : i32
    %scan3A_16 = arith.constant 15 : i32
    %scan3A_17 = arith.addi %scan3A_15, %scan3A_16 : i32
    %scan3A_18 = arith.constant 1 : i32
    scf.for %scan3A_27 = %scan3A_15 to %scan3A_17 step %scan3A_18  : i32 {
      %mul3A_28 = arith.constant 1 : i32
      %mul3A_29 = arith.muli %scan3A_27, %mul3A_28 : i32
      %add3A_30 = arith.constant 1 : i32
      %add3A_31 = arith.addi %add3A_30, %mul3A_29 : i32
      %mul3A_32 = arith.constant 640 : i32
      %mul3A_33 = arith.muli %arg1, %mul3A_32 : i32
      "tpu.region"() ({
        %run_scoped3A_39 = tpu.sem_alloc : memref<!tpu.dma_semaphore, #tpu.memory_space<semaphore_mem>>
        %dma_start3A = tpu.memref_slice %arg9[%add3A_31, %mul3A_33] : memref<16x10240xf32, #tpu.memory_space<vmem_shared>> -> memref<1x640xf32, #tpu.memory_space<vmem_shared>>
        %dma_start3A_40 = tpu.memref_squeeze %dma_start3A : memref<1x640xf32, #tpu.memory_space<vmem_shared>> -> memref<640xf32, #tpu.memory_space<vmem_shared>>
        %dma_start3A_41 = tpu.memref_slice %arg9[%add3A_31, %mul3A_33] : memref<16x10240xf32, #tpu.memory_space<vmem_shared>> -> memref<1x640xf32, #tpu.memory_space<vmem_shared>>
        %dma_start3A_42 = tpu.memref_squeeze %dma_start3A_41 : memref<1x640xf32, #tpu.memory_space<vmem_shared>> -> memref<640xf32, #tpu.memory_space<vmem_shared>>
        tpu.enqueue_dma source(%dma_start3A_42 : memref<640xf32, #tpu.memory_space<vmem_shared>>) target(%arg6 : memref<640xf32, #tpu.memory_space<vmem>>) target_semaphore(%run_scoped3A_39 : memref<!tpu.dma_semaphore, #tpu.memory_space<semaphore_mem>>)
        %dma_wait3A = tpu.memref_slice %arg9[%add3A_31, %mul3A_33] : memref<16x10240xf32, #tpu.memory_space<vmem_shared>> -> memref<1x640xf32, #tpu.memory_space<vmem_shared>>
        %dma_wait3A_43 = tpu.memref_squeeze %dma_wait3A : memref<1x640xf32, #tpu.memory_space<vmem_shared>> -> memref<640xf32, #tpu.memory_space<vmem_shared>>
        %dma_wait3A_44 = tpu.memref_slice %arg9[%add3A_31, %mul3A_33] : memref<16x10240xf32, #tpu.memory_space<vmem_shared>> -> memref<1x640xf32, #tpu.memory_space<vmem_shared>>
        %dma_wait3A_45 = tpu.memref_squeeze %dma_wait3A_44 : memref<1x640xf32, #tpu.memory_space<vmem_shared>> -> memref<640xf32, #tpu.memory_space<vmem_shared>>
        tpu.wait_dma2 semaphore(%run_scoped3A_39 : memref<!tpu.dma_semaphore, #tpu.memory_space<semaphore_mem>>) src(%dma_wait3A_45 : memref<640xf32, #tpu.memory_space<vmem_shared>>) dst(%arg6 : memref<640xf32, #tpu.memory_space<vmem>>)
        tpu.yield
      }) : () -> ()
      %scan3A_34 = arith.constant 0 : i32
      %scan3A_35 = arith.constant 40 : i32
      %scan3A_36 = arith.addi %scan3A_34, %scan3A_35 : i32
      %scan3A_37 = arith.constant 1 : i32
      scf.for %scan3A_39 = %scan3A_34 to %scan3A_36 step %scan3A_37  : i32 {
        %mul3A_40 = arith.constant 1 : i32
        %mul3A_41 = arith.muli %scan3A_39, %mul3A_40 : i32
        %add3A_42 = arith.constant 0 : i32
        %add3A_43 = arith.addi %add3A_42, %mul3A_41 : i32
        %mul3A_44 = arith.constant 16 : i32
        %mul3A_45 = arith.muli %add3A_43, %mul3A_44 : i32
        %get3A = arith.index_cast %mul3A_45 : i32 to index
        %get3A_46 = tpu.vector_load %arg7[%get3A] {strides = array<i32>} : memref<640xf32, #tpu.memory_space<vmem>>, vector<16xf32>,
        %mul3A_47 = arith.constant 16 : i32
        %mul3A_48 = arith.muli %add3A_43, %mul3A_47 : i32
        %get3A_49 = arith.index_cast %mul3A_48 : i32 to index
        %get3A_50 = tpu.vector_load %arg6[%get3A_49] {strides = array<i32>} : memref<640xf32, #tpu.memory_space<vmem>>, vector<16xf32>,
        %add3A_51 = arith.addf %get3A_46, %get3A_50 : vector<16xf32>
        %mul3A_52 = arith.constant 16 : i32
        %mul3A_53 = arith.muli %add3A_43, %mul3A_52 : i32
        %swap3A = arith.index_cast %mul3A_53 : i32 to index
        %swap3A_54 = tpu.vector_load %arg7[%swap3A] {strides = array<i32>} : memref<640xf32, #tpu.memory_space<vmem>>, vector<16xf32>,
        tpu.vector_store %arg7[%swap3A], %add3A_51 {strides = array<i32>} : memref<640xf32, #tpu.memory_space<vmem>>, vector<16xf32>,
      }
      %scan3A_38 = arith.constant 40 : i32
    }
    %scan3A_19 = arith.constant 15 : i32
    %iota3A = tpu.iota {dimensions = array<i32: 0>} : vector<16xi32>
    %broadcast_in_dim3A_20 = arith.constant 0 : i32
    %broadcast_in_dim3A_21 = vector.broadcast %broadcast_in_dim3A_20 : i32 to vector<16xi32>
    %scan3A_22 = arith.constant 0 : i32
    %scan3A_23 = arith.constant 5 : i32
    %scan3A_24 = arith.addi %scan3A_22, %scan3A_23 : i32
    %scan3A_25 = arith.constant 1 : i32
    scf.for %scan3A_27 = %scan3A_22 to %scan3A_24 step %scan3A_25  : i32 {
      %mul3A_28 = arith.constant 1 : i32
      %mul3A_29 = arith.muli %scan3A_27, %mul3A_28 : i32
      %add3A_30 = arith.constant 0 : i32
      %add3A_31 = arith.addi %add3A_30, %mul3A_29 : i32
      %scan3A_32 = arith.constant 0 : i32
      %scan3A_33 = arith.constant 8 : i32
      %scan3A_34 = arith.addi %scan3A_32, %scan3A_33 : i32
      %scan3A_35 = arith.constant 1 : i32
      scf.for %scan3A_42 = %scan3A_32 to %scan3A_34 step %scan3A_35  : i32 {
        %mul3A_43 = arith.constant 1 : i32
        %mul3A_44 = arith.muli %scan3A_42, %mul3A_43 : i32
        %add3A_45 = arith.constant 0 : i32
        %add3A_46 = arith.addi %add3A_45, %mul3A_44 : i32
        %mul3A_47 = arith.constant 128 : i32
        %mul3A_48 = arith.muli %add3A_31, %mul3A_47 : i32
        %mul3A_49 = arith.constant 16 : i32
        %mul3A_50 = arith.muli %add3A_46, %mul3A_49 : i32
        %add3A_51 = arith.addi %mul3A_48, %mul3A_50 : i32
        %get3A = arith.index_cast %add3A_51 : i32 to index
        %get3A_52 = tpu.vector_load %arg7[%get3A] {strides = array<i32>} : memref<640xf32, #tpu.memory_space<vmem>>, vector<16xf32>,
        %mul3A_53 = arith.constant 16 : i32
        %mul3A_54 = arith.muli %add3A_46, %mul3A_53 : i32
        %add3A_55 = vector.broadcast %mul3A_54 : i32 to vector<16xi32>
        %add3A_56 = arith.addi %iota3A, %add3A_55 : vector<16xi32>
        tpu.vector_store_idx %arg8[%add3A_56, %broadcast_in_dim3A_21], %get3A_52 : memref<128x16xf32, #tpu.memory_space<vmem>>[vector<16xi32>, vector<16xi32>], vector<16xf32>,
      }
      %scan3A_36 = arith.constant 8 : i32
      %mul3A_37 = arith.constant 640 : i32
      %mul3A_38 = arith.muli %arg1, %mul3A_37 : i32
      %mul3A_39 = arith.constant 128 : i32
      %mul3A_40 = arith.muli %add3A_31, %mul3A_39 : i32
      %add3A_41 = arith.addi %mul3A_38, %mul3A_40 : i32
      "tpu.region"() ({
        %run_scoped3A_42 = tpu.sem_alloc : memref<!tpu.dma_semaphore, #tpu.memory_space<semaphore_mem>>
        %dma_start3A = arith.constant 0 : i32
        %dma_start3A_43 = tpu.memref_slice %arg3[%arg0, %add3A_41, %dma_start3A] : memref<2x10240x16xf32, #tpu.memory_space<hbm>> -> memref<1x128x16xf32, #tpu.memory_space<hbm>>
        %dma_start3A_44 = tpu.memref_squeeze %dma_start3A_43 : memref<1x128x16xf32, #tpu.memory_space<hbm>> -> memref<128x16xf32, #tpu.memory_space<hbm>>
        %dma_start3A_45 = arith.constant 0 : i32
        %dma_start3A_46 = tpu.memref_slice %arg3[%arg0, %add3A_41, %dma_start3A_45] : memref<2x10240x16xf32, #tpu.memory_space<hbm>> -> memref<1x128x16xf32, #tpu.memory_space<hbm>>
        %dma_start3A_47 = tpu.memref_squeeze %dma_start3A_46 : memref<1x128x16xf32, #tpu.memory_space<hbm>> -> memref<128x16xf32, #tpu.memory_space<hbm>>
        tpu.enqueue_dma source(%arg8 : memref<128x16xf32, #tpu.memory_space<vmem>>) target(%dma_start3A_47 : memref<128x16xf32, #tpu.memory_space<hbm>>) target_semaphore(%run_scoped3A_42 : memref<!tpu.dma_semaphore, #tpu.memory_space<semaphore_mem>>)
        %dma_wait3A = arith.constant 0 : i32
        %dma_wait3A_48 = tpu.memref_slice %arg3[%arg0, %add3A_41, %dma_wait3A] : memref<2x10240x16xf32, #tpu.memory_space<hbm>> -> memref<1x128x16xf32, #tpu.memory_space<hbm>>
        %dma_wait3A_49 = tpu.memref_squeeze %dma_wait3A_48 : memref<1x128x16xf32, #tpu.memory_space<hbm>> -> memref<128x16xf32, #tpu.memory_space<hbm>>
        %dma_wait3A_50 = arith.constant 0 : i32
        %dma_wait3A_51 = tpu.memref_slice %arg3[%arg0, %add3A_41, %dma_wait3A_50] : memref<2x10240x16xf32, #tpu.memory_space<hbm>> -> memref<1x128x16xf32, #tpu.memory_space<hbm>>
        %dma_wait3A_52 = tpu.memref_squeeze %dma_wait3A_51 : memref<1x128x16xf32, #tpu.memory_space<hbm>> -> memref<128x16xf32, #tpu.memory_space<hbm>>
        tpu.wait_dma2 semaphore(%run_scoped3A_42 : memref<!tpu.dma_semaphore, #tpu.memory_space<semaphore_mem>>) src(%arg8 : memref<128x16xf32, #tpu.memory_space<vmem>>) dst(%dma_wait3A_52 : memref<128x16xf32, #tpu.memory_space<hbm>>)
        tpu.yield
      }) : () -> ()
    }
    %scan3A_26 = arith.constant 5 : i32
    return
  }
}

#map = affine_map<(d0, d1) -> (0, 0)>
#map1 = affine_map<(d0, d1) -> (0, 0, 0)>
module attributes {stable_mosaic.version = 14 : i64} {
  func.func @_scatter_kernel(%arg0: i32, %arg1: i32, %arg2: memref<1280x128xi32, #tpu.memory_space<hbm>>, %arg3: memref<1280x128xi32, #tpu.memory_space<hbm>>, %arg4: memref<2x10000x128xf32, #tpu.memory_space<hbm>>, %arg5: memref<2x10240x128xf32, #tpu.memory_space<hbm>>, %arg6: memref<40x128xi32, #tpu.memory_space<vmem>>, %arg7: memref<40x128xi32, #tpu.memory_space<vmem>>, %arg8: memref<128x128xf32, #tpu.memory_space<vmem>>, %arg9: memref<128x128xf32, #tpu.memory_space<vmem>>, %arg10: memref<10240x128xf32, #tpu.memory_space<vmem_shared>>, %arg11: memref<!tpu.dma_semaphore, #tpu.memory_space<semaphore_mem>>, %arg12: memref<!tpu.dma_semaphore, #tpu.memory_space<semaphore_mem>>, %arg13: memref<!tpu.dma_semaphore, #tpu.memory_space<semaphore_mem>>, %arg14: memref<!tpu.dma_semaphore, #tpu.memory_space<semaphore_mem>>) attributes {dimension_semantics = [#tpu.dimension_semantics<core_parallel>, #tpu.dimension_semantics<subcore_parallel>], iteration_bounds = array<i64: 2, 16>, scalar_prefetch = 0 : i64, scratch_operands = 9 : i64, tpu.core_type = #tpu.core_type<sc_vector_subcore>, window_params = [{transform_indices = #map}, {transform_indices = #map}, {transform_indices = #map1}, {transform_indices = #map1}]} {
    %scan3A = arith.constant 0 : i32
    %scan3A_0 = arith.constant 128 : i32
    %scan3A_1 = arith.addi %scan3A, %scan3A_0 : i32
    %scan3A_2 = arith.constant 1 : i32
    scf.for %scan3A_18 = %scan3A to %scan3A_1 step %scan3A_2  : i32 {
      %mul3A_19 = arith.constant 1 : i32
      %mul3A_20 = arith.muli %scan3A_18, %mul3A_19 : i32
      %add3A = arith.constant 0 : i32
      %add3A_21 = arith.addi %add3A, %mul3A_20 : i32
      %scan3A_22 = arith.constant 0 : i32
      %scan3A_23 = arith.constant 8 : i32
      %scan3A_24 = arith.addi %scan3A_22, %scan3A_23 : i32
      %scan3A_25 = arith.constant 1 : i32
      scf.for %scan3A_27 = %scan3A_22 to %scan3A_24 step %scan3A_25  : i32 {
        %mul3A_28 = arith.constant 1 : i32
        %mul3A_29 = arith.muli %scan3A_27, %mul3A_28 : i32
        %add3A_30 = arith.constant 0 : i32
        %add3A_31 = arith.addi %add3A_30, %mul3A_29 : i32
        %broadcast_in_dim3A = arith.constant 0.000000e+00 : f32
        %broadcast_in_dim3A_32 = vector.broadcast %broadcast_in_dim3A : f32 to vector<16xf32>
        %mul3A_33 = arith.constant 16 : i32
        %mul3A_34 = arith.muli %add3A_31, %mul3A_33 : i32
        %swap3A = arith.index_cast %add3A_21 : i32 to index
        %swap3A_35 = arith.index_cast %mul3A_34 : i32 to index
        %swap3A_36 = tpu.vector_load %arg8[%swap3A, %swap3A_35] {strides = array<i32>} : memref<128x128xf32, #tpu.memory_space<vmem>>, vector<1x16xf32>,
        %swap3A_37 = vector.shape_cast %swap3A_36 : vector<1x16xf32> to vector<16xf32>
        %swap3A_38 = vector.shape_cast %broadcast_in_dim3A_32 : vector<16xf32> to vector<1x16xf32>
        tpu.vector_store %arg8[%swap3A, %swap3A_35], %swap3A_38 {strides = array<i32>} : memref<128x128xf32, #tpu.memory_space<vmem>>, vector<1x16xf32>,
      }
      %scan3A_26 = arith.constant 8 : i32
    }
    %scan3A_3 = arith.constant 128 : i32
    %scan3A_4 = arith.constant 0 : i32
    %scan3A_5 = arith.constant 5 : i32
    %scan3A_6 = arith.addi %scan3A_4, %scan3A_5 : i32
    %scan3A_7 = arith.constant 1 : i32
    scf.for %scan3A_18 = %scan3A_4 to %scan3A_6 step %scan3A_7  : i32 {
      %mul3A_19 = arith.constant 1 : i32
      %mul3A_20 = arith.muli %scan3A_18, %mul3A_19 : i32
      %add3A = arith.constant 0 : i32
      %add3A_21 = arith.addi %add3A, %mul3A_20 : i32
      %mul3A_22 = arith.constant 640 : i32
      %mul3A_23 = arith.muli %arg1, %mul3A_22 : i32
      %mul3A_24 = arith.constant 128 : i32
      %mul3A_25 = arith.muli %add3A_21, %mul3A_24 : i32
      %add3A_26 = arith.addi %mul3A_23, %mul3A_25 : i32
      "tpu.region"() ({
        %run_scoped3A = tpu.sem_alloc : memref<!tpu.dma_semaphore, #tpu.memory_space<semaphore_mem>>
        %dma_start3A = arith.constant 0 : i32
        %dma_start3A_27 = tpu.memref_slice %arg10[%add3A_26, %dma_start3A] : memref<10240x128xf32, #tpu.memory_space<vmem_shared>> -> memref<128x128xf32, #tpu.memory_space<vmem_shared>>
        %dma_start3A_28 = arith.constant 0 : i32
        %dma_start3A_29 = tpu.memref_slice %arg10[%add3A_26, %dma_start3A_28] : memref<10240x128xf32, #tpu.memory_space<vmem_shared>> -> memref<128x128xf32, #tpu.memory_space<vmem_shared>>
        tpu.enqueue_dma source(%arg8 : memref<128x128xf32, #tpu.memory_space<vmem>>) target(%dma_start3A_29 : memref<128x128xf32, #tpu.memory_space<vmem_shared>>) target_semaphore(%run_scoped3A : memref<!tpu.dma_semaphore, #tpu.memory_space<semaphore_mem>>)
        %dma_wait3A = arith.constant 0 : i32
        %dma_wait3A_30 = tpu.memref_slice %arg10[%add3A_26, %dma_wait3A] : memref<10240x128xf32, #tpu.memory_space<vmem_shared>> -> memref<128x128xf32, #tpu.memory_space<vmem_shared>>
        %dma_wait3A_31 = arith.constant 0 : i32
        %dma_wait3A_32 = tpu.memref_slice %arg10[%add3A_26, %dma_wait3A_31] : memref<10240x128xf32, #tpu.memory_space<vmem_shared>> -> memref<128x128xf32, #tpu.memory_space<vmem_shared>>
        tpu.wait_dma2 semaphore(%run_scoped3A : memref<!tpu.dma_semaphore, #tpu.memory_space<semaphore_mem>>) src(%arg8 : memref<128x128xf32, #tpu.memory_space<vmem>>) dst(%dma_wait3A_32 : memref<128x128xf32, #tpu.memory_space<vmem_shared>>)
        tpu.yield
      }) : () -> ()
    }
    %scan3A_8 = arith.constant 5 : i32
    %barrier3A = arith.constant 0 : index
    tpu.barrier barrier_id(%barrier3A)
    %scan3A_9 = arith.constant 0 : i32
    %scan3A_10 = arith.constant 2 : i32
    %scan3A_11 = arith.addi %scan3A_9, %scan3A_10 : i32
    %scan3A_12 = arith.constant 1 : i32
    scf.for %scan3A_18 = %scan3A_9 to %scan3A_11 step %scan3A_12  : i32 {
      %mul3A_19 = arith.constant 1 : i32
      %mul3A_20 = arith.muli %scan3A_18, %mul3A_19 : i32
      %add3A = arith.constant 0 : i32
      %add3A_21 = arith.addi %add3A, %mul3A_20 : i32
      %mul3A_22 = arith.constant 80 : i32
      %mul3A_23 = arith.muli %arg1, %mul3A_22 : i32
      %mul3A_24 = arith.constant 40 : i32
      %mul3A_25 = arith.muli %add3A_21, %mul3A_24 : i32
      %add3A_26 = arith.addi %mul3A_23, %mul3A_25 : i32
      "tpu.region"() ({
        %run_scoped3A = tpu.sem_alloc : memref<!tpu.dma_semaphore, #tpu.memory_space<semaphore_mem>>
        %dma_start3A_66 = arith.constant 0 : i32
        %dma_start3A_67 = tpu.memref_slice %arg2[%add3A_26, %dma_start3A_66] : memref<1280x128xi32, #tpu.memory_space<hbm>> -> memref<40x128xi32, #tpu.memory_space<hbm>>
        %dma_start3A_68 = arith.constant 0 : i32
        %dma_start3A_69 = tpu.memref_slice %arg2[%add3A_26, %dma_start3A_68] : memref<1280x128xi32, #tpu.memory_space<hbm>> -> memref<40x128xi32, #tpu.memory_space<hbm>>
        tpu.enqueue_dma source(%dma_start3A_69 : memref<40x128xi32, #tpu.memory_space<hbm>>) target(%arg6 : memref<40x128xi32, #tpu.memory_space<vmem>>) target_semaphore(%run_scoped3A : memref<!tpu.dma_semaphore, #tpu.memory_space<semaphore_mem>>)
        %dma_wait3A_70 = arith.constant 0 : i32
        %dma_wait3A_71 = tpu.memref_slice %arg2[%add3A_26, %dma_wait3A_70] : memref<1280x128xi32, #tpu.memory_space<hbm>> -> memref<40x128xi32, #tpu.memory_space<hbm>>
        %dma_wait3A_72 = arith.constant 0 : i32
        %dma_wait3A_73 = tpu.memref_slice %arg2[%add3A_26, %dma_wait3A_72] : memref<1280x128xi32, #tpu.memory_space<hbm>> -> memref<40x128xi32, #tpu.memory_space<hbm>>
        tpu.wait_dma2 semaphore(%run_scoped3A : memref<!tpu.dma_semaphore, #tpu.memory_space<semaphore_mem>>) src(%dma_wait3A_73 : memref<40x128xi32, #tpu.memory_space<hbm>>) dst(%arg6 : memref<40x128xi32, #tpu.memory_space<vmem>>)
        tpu.yield
      }) : () -> ()
      "tpu.region"() ({
        %run_scoped3A = tpu.sem_alloc : memref<!tpu.dma_semaphore, #tpu.memory_space<semaphore_mem>>
        %dma_start3A_66 = arith.constant 0 : i32
        %dma_start3A_67 = tpu.memref_slice %arg3[%add3A_26, %dma_start3A_66] : memref<1280x128xi32, #tpu.memory_space<hbm>> -> memref<40x128xi32, #tpu.memory_space<hbm>>
        %dma_start3A_68 = arith.constant 0 : i32
        %dma_start3A_69 = tpu.memref_slice %arg3[%add3A_26, %dma_start3A_68] : memref<1280x128xi32, #tpu.memory_space<hbm>> -> memref<40x128xi32, #tpu.memory_space<hbm>>
        tpu.enqueue_dma source(%dma_start3A_69 : memref<40x128xi32, #tpu.memory_space<hbm>>) target(%arg7 : memref<40x128xi32, #tpu.memory_space<vmem>>) target_semaphore(%run_scoped3A : memref<!tpu.dma_semaphore, #tpu.memory_space<semaphore_mem>>)
        %dma_wait3A_70 = arith.constant 0 : i32
        %dma_wait3A_71 = tpu.memref_slice %arg3[%add3A_26, %dma_wait3A_70] : memref<1280x128xi32, #tpu.memory_space<hbm>> -> memref<40x128xi32, #tpu.memory_space<hbm>>
        %dma_wait3A_72 = arith.constant 0 : i32
        %dma_wait3A_73 = tpu.memref_slice %arg3[%add3A_26, %dma_wait3A_72] : memref<1280x128xi32, #tpu.memory_space<hbm>> -> memref<40x128xi32, #tpu.memory_space<hbm>>
        tpu.wait_dma2 semaphore(%run_scoped3A : memref<!tpu.dma_semaphore, #tpu.memory_space<semaphore_mem>>) src(%dma_wait3A_73 : memref<40x128xi32, #tpu.memory_space<hbm>>) dst(%arg7 : memref<40x128xi32, #tpu.memory_space<vmem>>)
        tpu.yield
      }) : () -> ()
      %dma_start3A = arith.constant 0 : i32
      %dma_start3A_27 = arith.constant 0 : i32
      %dma_start3A_28 = tpu.memref_slice %arg6[%dma_start3A, %dma_start3A_27] : memref<40x128xi32, #tpu.memory_space<vmem>> -> memref<1x128xi32, #tpu.memory_space<vmem>>
      %dma_start3A_29 = tpu.memref_squeeze %dma_start3A_28 : memref<1x128xi32, #tpu.memory_space<vmem>> -> memref<128xi32, #tpu.memory_space<vmem>>
      %dma_start3A_30 = arith.constant 0 : i32
      %dma_start3A_31 = arith.constant 0 : i32
      %dma_start3A_32 = tpu.memref_slice %arg4[%arg0, %dma_start3A_30, %dma_start3A_31] : memref<2x10000x128xf32, #tpu.memory_space<hbm>> -> memref<1x10000x128xf32, #tpu.memory_space<hbm>>
      %dma_start3A_33 = tpu.memref_squeeze %dma_start3A_32 : memref<1x10000x128xf32, #tpu.memory_space<hbm>> -> memref<10000x128xf32, #tpu.memory_space<hbm>>
      %dma_start3A_34 = arith.constant 0 : i32
      %dma_start3A_35 = arith.constant 0 : i32
      %dma_start3A_36 = tpu.memref_slice %dma_start3A_33[%dma_start3A_34, %dma_start3A_35] : memref<10000x128xf32, #tpu.memory_space<hbm>> -> memref<10000x128xf32, #tpu.memory_space<hbm>>
      tpu.enqueue_indirect_dma source(%dma_start3A_36 : memref<10000x128xf32, #tpu.memory_space<hbm>>) target(%arg8 : memref<128x128xf32, #tpu.memory_space<vmem>>) offsets(%dma_start3A_29 : memref<128xi32, #tpu.memory_space<vmem>>) semaphore(%arg11 : memref<!tpu.dma_semaphore, #tpu.memory_space<semaphore_mem>>)
      %dma_start3A_37 = arith.constant 1 : i32
      %dma_start3A_38 = arith.constant 0 : i32
      %dma_start3A_39 = tpu.memref_slice %arg6[%dma_start3A_37, %dma_start3A_38] : memref<40x128xi32, #tpu.memory_space<vmem>> -> memref<1x128xi32, #tpu.memory_space<vmem>>
      %dma_start3A_40 = tpu.memref_squeeze %dma_start3A_39 : memref<1x128xi32, #tpu.memory_space<vmem>> -> memref<128xi32, #tpu.memory_space<vmem>>
      %dma_start3A_41 = arith.constant 0 : i32
      %dma_start3A_42 = arith.constant 0 : i32
      %dma_start3A_43 = tpu.memref_slice %arg4[%arg0, %dma_start3A_41, %dma_start3A_42] : memref<2x10000x128xf32, #tpu.memory_space<hbm>> -> memref<1x10000x128xf32, #tpu.memory_space<hbm>>
      %dma_start3A_44 = tpu.memref_squeeze %dma_start3A_43 : memref<1x10000x128xf32, #tpu.memory_space<hbm>> -> memref<10000x128xf32, #tpu.memory_space<hbm>>
      %dma_start3A_45 = arith.constant 0 : i32
      %dma_start3A_46 = arith.constant 0 : i32
      %dma_start3A_47 = tpu.memref_slice %dma_start3A_44[%dma_start3A_45, %dma_start3A_46] : memref<10000x128xf32, #tpu.memory_space<hbm>> -> memref<10000x128xf32, #tpu.memory_space<hbm>>
      tpu.enqueue_indirect_dma source(%dma_start3A_47 : memref<10000x128xf32, #tpu.memory_space<hbm>>) target(%arg9 : memref<128x128xf32, #tpu.memory_space<vmem>>) offsets(%dma_start3A_40 : memref<128xi32, #tpu.memory_space<vmem>>) semaphore(%arg12 : memref<!tpu.dma_semaphore, #tpu.memory_space<semaphore_mem>>)
      %scan3A_48 = arith.constant 0 : i32
      %scan3A_49 = arith.constant 20 : i32
      %scan3A_50 = arith.addi %scan3A_48, %scan3A_49 : i32
      %scan3A_51 = arith.constant 1 : i32
      scf.for %scan3A_66 = %scan3A_48 to %scan3A_50 step %scan3A_51  : i32 {
        %mul3A_67 = arith.constant 1 : i32
        %mul3A_68 = arith.muli %scan3A_66, %mul3A_67 : i32
        %add3A_69 = arith.constant 0 : i32
        %add3A_70 = arith.addi %add3A_69, %mul3A_68 : i32
        %mul3A_71 = arith.constant 2 : i32
        %mul3A_72 = arith.muli %mul3A_71, %add3A_70 : i32
        %dma_wait3A_73 = arith.constant 0 : i32
        %dma_wait3A_74 = arith.constant 0 : i32
        %dma_wait3A_75 = tpu.memref_slice %arg6[%dma_wait3A_73, %dma_wait3A_74] : memref<40x128xi32, #tpu.memory_space<vmem>> -> memref<1x128xi32, #tpu.memory_space<vmem>>
        %dma_wait3A_76 = tpu.memref_squeeze %dma_wait3A_75 : memref<1x128xi32, #tpu.memory_space<vmem>> -> memref<128xi32, #tpu.memory_space<vmem>>
        %dma_wait3A_77 = arith.constant 0 : i32
        %dma_wait3A_78 = arith.constant 0 : i32
        %dma_wait3A_79 = tpu.memref_slice %arg4[%arg0, %dma_wait3A_77, %dma_wait3A_78] : memref<2x10000x128xf32, #tpu.memory_space<hbm>> -> memref<1x10000x128xf32, #tpu.memory_space<hbm>>
        %dma_wait3A_80 = tpu.memref_squeeze %dma_wait3A_79 : memref<1x10000x128xf32, #tpu.memory_space<hbm>> -> memref<10000x128xf32, #tpu.memory_space<hbm>>
        %dma_wait3A_81 = arith.constant 0 : i32
        %dma_wait3A_82 = arith.constant 0 : i32
        %dma_wait3A_83 = tpu.memref_slice %dma_wait3A_80[%dma_wait3A_81, %dma_wait3A_82] : memref<10000x128xf32, #tpu.memory_space<hbm>> -> memref<10000x128xf32, #tpu.memory_space<hbm>>
        tpu.wait_indirect_dma semaphore(%arg11 : memref<!tpu.dma_semaphore, #tpu.memory_space<semaphore_mem>>) src(%dma_wait3A_83 : memref<10000x128xf32, #tpu.memory_space<hbm>>) dst(%arg8 : memref<128x128xf32, #tpu.memory_space<vmem>>)
        %dma_start3A_84 = arith.constant 0 : i32
        %dma_start3A_85 = tpu.memref_slice %arg7[%mul3A_72, %dma_start3A_84] : memref<40x128xi32, #tpu.memory_space<vmem>> -> memref<1x128xi32, #tpu.memory_space<vmem>>
        %dma_start3A_86 = tpu.memref_squeeze %dma_start3A_85 : memref<1x128xi32, #tpu.memory_space<vmem>> -> memref<128xi32, #tpu.memory_space<vmem>>
        %dma_start3A_87 = arith.constant 0 : i32
        %dma_start3A_88 = arith.constant 0 : i32
        %dma_start3A_89 = tpu.memref_slice %arg10[%dma_start3A_87, %dma_start3A_88] : memref<10240x128xf32, #tpu.memory_space<vmem_shared>> -> memref<10240x128xf32, #tpu.memory_space<vmem_shared>>
        tpu.enqueue_indirect_dma source(%arg8 : memref<128x128xf32, #tpu.memory_space<vmem>>) target(%dma_start3A_89 : memref<10240x128xf32, #tpu.memory_space<vmem_shared>>) offsets(%dma_start3A_86 : memref<128xi32, #tpu.memory_space<vmem>>) semaphore(%arg13 : memref<!tpu.dma_semaphore, #tpu.memory_space<semaphore_mem>>) {add = true}
        %dma_wait3A_90 = arith.constant 0 : i32
        %dma_wait3A_91 = arith.constant 0 : i32
        %dma_wait3A_92 = tpu.memref_slice %arg6[%dma_wait3A_90, %dma_wait3A_91] : memref<40x128xi32, #tpu.memory_space<vmem>> -> memref<1x128xi32, #tpu.memory_space<vmem>>
        %dma_wait3A_93 = tpu.memref_squeeze %dma_wait3A_92 : memref<1x128xi32, #tpu.memory_space<vmem>> -> memref<128xi32, #tpu.memory_space<vmem>>
        %dma_wait3A_94 = arith.constant 0 : i32
        %dma_wait3A_95 = arith.constant 0 : i32
        %dma_wait3A_96 = tpu.memref_slice %arg4[%arg0, %dma_wait3A_94, %dma_wait3A_95] : memref<2x10000x128xf32, #tpu.memory_space<hbm>> -> memref<1x10000x128xf32, #tpu.memory_space<hbm>>
        %dma_wait3A_97 = tpu.memref_squeeze %dma_wait3A_96 : memref<1x10000x128xf32, #tpu.memory_space<hbm>> -> memref<10000x128xf32, #tpu.memory_space<hbm>>
        %dma_wait3A_98 = arith.constant 0 : i32
        %dma_wait3A_99 = arith.constant 0 : i32
        %dma_wait3A_100 = tpu.memref_slice %dma_wait3A_97[%dma_wait3A_98, %dma_wait3A_99] : memref<10000x128xf32, #tpu.memory_space<hbm>> -> memref<10000x128xf32, #tpu.memory_space<hbm>>
        tpu.wait_indirect_dma semaphore(%arg12 : memref<!tpu.dma_semaphore, #tpu.memory_space<semaphore_mem>>) src(%dma_wait3A_100 : memref<10000x128xf32, #tpu.memory_space<hbm>>) dst(%arg9 : memref<128x128xf32, #tpu.memory_space<vmem>>)
        %add3A_101 = arith.constant 1 : i32
        %add3A_102 = arith.addi %mul3A_72, %add3A_101 : i32
        %dma_start3A_103 = arith.constant 0 : i32
        %dma_start3A_104 = tpu.memref_slice %arg7[%add3A_102, %dma_start3A_103] : memref<40x128xi32, #tpu.memory_space<vmem>> -> memref<1x128xi32, #tpu.memory_space<vmem>>
        %dma_start3A_105 = tpu.memref_squeeze %dma_start3A_104 : memref<1x128xi32, #tpu.memory_space<vmem>> -> memref<128xi32, #tpu.memory_space<vmem>>
        %dma_start3A_106 = arith.constant 0 : i32
        %dma_start3A_107 = arith.constant 0 : i32
        %dma_start3A_108 = tpu.memref_slice %arg10[%dma_start3A_106, %dma_start3A_107] : memref<10240x128xf32, #tpu.memory_space<vmem_shared>> -> memref<10240x128xf32, #tpu.memory_space<vmem_shared>>
        tpu.enqueue_indirect_dma source(%arg9 : memref<128x128xf32, #tpu.memory_space<vmem>>) target(%dma_start3A_108 : memref<10240x128xf32, #tpu.memory_space<vmem_shared>>) offsets(%dma_start3A_105 : memref<128xi32, #tpu.memory_space<vmem>>) semaphore(%arg14 : memref<!tpu.dma_semaphore, #tpu.memory_space<semaphore_mem>>) {add = true}
        %add3A_109 = arith.constant 2 : i32
        %add3A_110 = arith.addi %mul3A_72, %add3A_109 : i32
        %lt3A = arith.constant 40 : i32
        %lt3A_111 = arith.cmpi slt, %add3A_110, %lt3A : i32
        %convert_element_type3A = arith.extui %lt3A_111 : i1 to i32
        %cond3A = arith.constant 0 : i32
        %cond3A_112 = arith.cmpi ne, %convert_element_type3A, %cond3A : i32
        scf.if %cond3A_112 {
          %dma_wait3A_113 = arith.constant 0 : i32
          %dma_wait3A_114 = arith.constant 0 : i32
          %dma_wait3A_115 = tpu.memref_slice %arg7[%dma_wait3A_113, %dma_wait3A_114] : memref<40x128xi32, #tpu.memory_space<vmem>> -> memref<1x128xi32, #tpu.memory_space<vmem>>
          %dma_wait3A_116 = tpu.memref_squeeze %dma_wait3A_115 : memref<1x128xi32, #tpu.memory_space<vmem>> -> memref<128xi32, #tpu.memory_space<vmem>>
          %dma_wait3A_117 = arith.constant 0 : i32
          %dma_wait3A_118 = arith.constant 0 : i32
          %dma_wait3A_119 = tpu.memref_slice %arg10[%dma_wait3A_117, %dma_wait3A_118] : memref<10240x128xf32, #tpu.memory_space<vmem_shared>> -> memref<10240x128xf32, #tpu.memory_space<vmem_shared>>
          tpu.wait_indirect_dma semaphore(%arg13 : memref<!tpu.dma_semaphore, #tpu.memory_space<semaphore_mem>>) src(%arg8 : memref<128x128xf32, #tpu.memory_space<vmem>>) dst(%dma_wait3A_119 : memref<10240x128xf32, #tpu.memory_space<vmem_shared>>)
          %add3A_120 = arith.constant 2 : i32
          %add3A_121 = arith.addi %mul3A_72, %add3A_120 : i32
          %dma_start3A_122 = arith.constant 0 : i32
          %dma_start3A_123 = tpu.memref_slice %arg6[%add3A_121, %dma_start3A_122] : memref<40x128xi32, #tpu.memory_space<vmem>> -> memref<1x128xi32, #tpu.memory_space<vmem>>
          %dma_start3A_124 = tpu.memref_squeeze %dma_start3A_123 : memref<1x128xi32, #tpu.memory_space<vmem>> -> memref<128xi32, #tpu.memory_space<vmem>>
          %dma_start3A_125 = arith.constant 0 : i32
          %dma_start3A_126 = arith.constant 0 : i32
          %dma_start3A_127 = tpu.memref_slice %arg4[%arg0, %dma_start3A_125, %dma_start3A_126] : memref<2x10000x128xf32, #tpu.memory_space<hbm>> -> memref<1x10000x128xf32, #tpu.memory_space<hbm>>
          %dma_start3A_128 = tpu.memref_squeeze %dma_start3A_127 : memref<1x10000x128xf32, #tpu.memory_space<hbm>> -> memref<10000x128xf32, #tpu.memory_space<hbm>>
          %dma_start3A_129 = arith.constant 0 : i32
          %dma_start3A_130 = arith.constant 0 : i32
          %dma_start3A_131 = tpu.memref_slice %dma_start3A_128[%dma_start3A_129, %dma_start3A_130] : memref<10000x128xf32, #tpu.memory_space<hbm>> -> memref<10000x128xf32, #tpu.memory_space<hbm>>
          tpu.enqueue_indirect_dma source(%dma_start3A_131 : memref<10000x128xf32, #tpu.memory_space<hbm>>) target(%arg8 : memref<128x128xf32, #tpu.memory_space<vmem>>) offsets(%dma_start3A_124 : memref<128xi32, #tpu.memory_space<vmem>>) semaphore(%arg11 : memref<!tpu.dma_semaphore, #tpu.memory_space<semaphore_mem>>)
          %dma_wait3A_132 = arith.constant 0 : i32
          %dma_wait3A_133 = arith.constant 0 : i32
          %dma_wait3A_134 = tpu.memref_slice %arg7[%dma_wait3A_132, %dma_wait3A_133] : memref<40x128xi32, #tpu.memory_space<vmem>> -> memref<1x128xi32, #tpu.memory_space<vmem>>
          %dma_wait3A_135 = tpu.memref_squeeze %dma_wait3A_134 : memref<1x128xi32, #tpu.memory_space<vmem>> -> memref<128xi32, #tpu.memory_space<vmem>>
          %dma_wait3A_136 = arith.constant 0 : i32
          %dma_wait3A_137 = arith.constant 0 : i32
          %dma_wait3A_138 = tpu.memref_slice %arg10[%dma_wait3A_136, %dma_wait3A_137] : memref<10240x128xf32, #tpu.memory_space<vmem_shared>> -> memref<10240x128xf32, #tpu.memory_space<vmem_shared>>
          tpu.wait_indirect_dma semaphore(%arg14 : memref<!tpu.dma_semaphore, #tpu.memory_space<semaphore_mem>>) src(%arg9 : memref<128x128xf32, #tpu.memory_space<vmem>>) dst(%dma_wait3A_138 : memref<10240x128xf32, #tpu.memory_space<vmem_shared>>)
          %add3A_139 = arith.constant 3 : i32
          %add3A_140 = arith.addi %mul3A_72, %add3A_139 : i32
          %dma_start3A_141 = arith.constant 0 : i32
          %dma_start3A_142 = tpu.memref_slice %arg6[%add3A_140, %dma_start3A_141] : memref<40x128xi32, #tpu.memory_space<vmem>> -> memref<1x128xi32, #tpu.memory_space<vmem>>
          %dma_start3A_143 = tpu.memref_squeeze %dma_start3A_142 : memref<1x128xi32, #tpu.memory_space<vmem>> -> memref<128xi32, #tpu.memory_space<vmem>>
          %dma_start3A_144 = arith.constant 0 : i32
          %dma_start3A_145 = arith.constant 0 : i32
          %dma_start3A_146 = tpu.memref_slice %arg4[%arg0, %dma_start3A_144, %dma_start3A_145] : memref<2x10000x128xf32, #tpu.memory_space<hbm>> -> memref<1x10000x128xf32, #tpu.memory_space<hbm>>
          %dma_start3A_147 = tpu.memref_squeeze %dma_start3A_146 : memref<1x10000x128xf32, #tpu.memory_space<hbm>> -> memref<10000x128xf32, #tpu.memory_space<hbm>>
          %dma_start3A_148 = arith.constant 0 : i32
          %dma_start3A_149 = arith.constant 0 : i32
          %dma_start3A_150 = tpu.memref_slice %dma_start3A_147[%dma_start3A_148, %dma_start3A_149] : memref<10000x128xf32, #tpu.memory_space<hbm>> -> memref<10000x128xf32, #tpu.memory_space<hbm>>
          tpu.enqueue_indirect_dma source(%dma_start3A_150 : memref<10000x128xf32, #tpu.memory_space<hbm>>) target(%arg9 : memref<128x128xf32, #tpu.memory_space<vmem>>) offsets(%dma_start3A_143 : memref<128xi32, #tpu.memory_space<vmem>>) semaphore(%arg12 : memref<!tpu.dma_semaphore, #tpu.memory_space<semaphore_mem>>)
        } else {
        }
      }
      %scan3A_52 = arith.constant 20 : i32
      %dma_wait3A = arith.constant 0 : i32
      %dma_wait3A_53 = arith.constant 0 : i32
      %dma_wait3A_54 = tpu.memref_slice %arg7[%dma_wait3A, %dma_wait3A_53] : memref<40x128xi32, #tpu.memory_space<vmem>> -> memref<1x128xi32, #tpu.memory_space<vmem>>
      %dma_wait3A_55 = tpu.memref_squeeze %dma_wait3A_54 : memref<1x128xi32, #tpu.memory_space<vmem>> -> memref<128xi32, #tpu.memory_space<vmem>>
      %dma_wait3A_56 = arith.constant 0 : i32
      %dma_wait3A_57 = arith.constant 0 : i32
      %dma_wait3A_58 = tpu.memref_slice %arg10[%dma_wait3A_56, %dma_wait3A_57] : memref<10240x128xf32, #tpu.memory_space<vmem_shared>> -> memref<10240x128xf32, #tpu.memory_space<vmem_shared>>
      tpu.wait_indirect_dma semaphore(%arg13 : memref<!tpu.dma_semaphore, #tpu.memory_space<semaphore_mem>>) src(%arg8 : memref<128x128xf32, #tpu.memory_space<vmem>>) dst(%dma_wait3A_58 : memref<10240x128xf32, #tpu.memory_space<vmem_shared>>)
      %dma_wait3A_59 = arith.constant 0 : i32
      %dma_wait3A_60 = arith.constant 0 : i32
      %dma_wait3A_61 = tpu.memref_slice %arg7[%dma_wait3A_59, %dma_wait3A_60] : memref<40x128xi32, #tpu.memory_space<vmem>> -> memref<1x128xi32, #tpu.memory_space<vmem>>
      %dma_wait3A_62 = tpu.memref_squeeze %dma_wait3A_61 : memref<1x128xi32, #tpu.memory_space<vmem>> -> memref<128xi32, #tpu.memory_space<vmem>>
      %dma_wait3A_63 = arith.constant 0 : i32
      %dma_wait3A_64 = arith.constant 0 : i32
      %dma_wait3A_65 = tpu.memref_slice %arg10[%dma_wait3A_63, %dma_wait3A_64] : memref<10240x128xf32, #tpu.memory_space<vmem_shared>> -> memref<10240x128xf32, #tpu.memory_space<vmem_shared>>
      tpu.wait_indirect_dma semaphore(%arg14 : memref<!tpu.dma_semaphore, #tpu.memory_space<semaphore_mem>>) src(%arg9 : memref<128x128xf32, #tpu.memory_space<vmem>>) dst(%dma_wait3A_65 : memref<10240x128xf32, #tpu.memory_space<vmem_shared>>)
    }
    %scan3A_13 = arith.constant 2 : i32
    %barrier3A_14 = arith.constant 0 : index
    tpu.barrier barrier_id(%barrier3A_14)
    %mul3A = arith.constant 640 : i32
    %mul3A_15 = arith.muli %arg1, %mul3A : i32
    %mul3A_16 = arith.constant 640 : i32
    %mul3A_17 = arith.muli %arg1, %mul3A_16 : i32
    "tpu.region"() ({
      %run_scoped3A = tpu.sem_alloc : memref<!tpu.dma_semaphore, #tpu.memory_space<semaphore_mem>>
      %dma_start3A = arith.constant 0 : i32
      %dma_start3A_18 = tpu.memref_slice %arg5[%arg0, %mul3A_17, %dma_start3A] : memref<2x10240x128xf32, #tpu.memory_space<hbm>> -> memref<1x640x128xf32, #tpu.memory_space<hbm>>
      %dma_start3A_19 = tpu.memref_squeeze %dma_start3A_18 : memref<1x640x128xf32, #tpu.memory_space<hbm>> -> memref<640x128xf32, #tpu.memory_space<hbm>>
      %dma_start3A_20 = arith.constant 0 : i32
      %dma_start3A_21 = tpu.memref_slice %arg10[%mul3A_15, %dma_start3A_20] : memref<10240x128xf32, #tpu.memory_space<vmem_shared>> -> memref<640x128xf32, #tpu.memory_space<vmem_shared>>
      tpu.enqueue_dma source(%dma_start3A_21 : memref<640x128xf32, #tpu.memory_space<vmem_shared>>) target(%dma_start3A_19 : memref<640x128xf32, #tpu.memory_space<hbm>>) target_semaphore(%run_scoped3A : memref<!tpu.dma_semaphore, #tpu.memory_space<semaphore_mem>>)
      %dma_wait3A = arith.constant 0 : i32
      %dma_wait3A_22 = tpu.memref_slice %arg5[%arg0, %mul3A_17, %dma_wait3A] : memref<2x10240x128xf32, #tpu.memory_space<hbm>> -> memref<1x640x128xf32, #tpu.memory_space<hbm>>
      %dma_wait3A_23 = tpu.memref_squeeze %dma_wait3A_22 : memref<1x640x128xf32, #tpu.memory_space<hbm>> -> memref<640x128xf32, #tpu.memory_space<hbm>>
      %dma_wait3A_24 = arith.constant 0 : i32
      %dma_wait3A_25 = tpu.memref_slice %arg10[%mul3A_15, %dma_wait3A_24] : memref<10240x128xf32, #tpu.memory_space<vmem_shared>> -> memref<640x128xf32, #tpu.memory_space<vmem_shared>>
      tpu.wait_dma2 semaphore(%run_scoped3A : memref<!tpu.dma_semaphore, #tpu.memory_space<semaphore_mem>>) src(%dma_wait3A_25 : memref<640x128xf32, #tpu.memory_space<vmem_shared>>) dst(%dma_wait3A_23 : memref<640x128xf32, #tpu.memory_space<hbm>>)
      tpu.yield
    }) : () -> ()
    return
  }
}

module attributes {stable_mosaic.version = 14 : i64} {
  func.func @_scale_split_body(%arg0: i32, %arg1: memref<2000x256xf32, #tpu.memory_space<vmem>>, %arg2: memref<2x2000x16xf32, #tpu.memory_space<vmem>>, %arg3: memref<2x2000x128xf32, #tpu.memory_space<vmem>>) attributes {dimension_semantics = [#tpu.dimension_semantics<arbitrary>], iteration_bounds = array<i64: 5>, scalar_prefetch = 0 : i64, scratch_operands = 0 : i64, tpu.core_type = #tpu.core_type<tc>, window_params = [{transform_indices = @transform_0, window_bounds = array<i64: 2000, 256>}, {transform_indices = @transform_1, window_bounds = array<i64: 2, 2000, 16>}, {transform_indices = @transform_2, window_bounds = array<i64: 2, 2000, 128>}]} {
    %get3A = arith.constant 0 : index
    %get3A_0 = arith.constant 0 : index
    %get3A_1 = arith.constant 0 : index
    %get3A_2 = vector.load %arg2[%get3A, %get3A_0, %get3A_1] : memref<2x2000x16xf32, #tpu.memory_space<vmem>>, vector<1x2000x1xf32>
    %get3A_3 = vector.shape_cast %get3A_2 : vector<1x2000x1xf32> to vector<2000x1xf32>
    %get3A_4 = arith.constant 1 : index
    %get3A_5 = arith.constant 0 : index
    %get3A_6 = arith.constant 0 : index
    %get3A_7 = vector.load %arg2[%get3A_4, %get3A_5, %get3A_6] : memref<2x2000x16xf32, #tpu.memory_space<vmem>>, vector<1x2000x1xf32>
    %get3A_8 = vector.shape_cast %get3A_7 : vector<1x2000x1xf32> to vector<2000x1xf32>
    %add3A = arith.addf %get3A_3, %get3A_8 : vector<2000x1xf32>
    %add3A_9 = arith.constant 1.000000e+00 : f32
    %add3A_10 = vector.broadcast %add3A_9 : f32 to vector<2000x1xf32>
    %add3A_11 = arith.addf %add3A, %add3A_10 : vector<2000x1xf32>
    %rsqrt3A = math.rsqrt %add3A_11 : vector<2000x1xf32>
    %get3A_12 = arith.constant 0 : index
    %get3A_13 = arith.constant 0 : index
    %get3A_14 = vector.load %arg1[%get3A_12, %get3A_13] : memref<2000x256xf32, #tpu.memory_space<vmem>>, vector<2000x128xf32>
    %mul3A = vector.broadcast %rsqrt3A : vector<2000x1xf32> to vector<2000x128xf32>
    %mul3A_15 = arith.mulf %get3A_14, %mul3A : vector<2000x128xf32>
    %swap3A = arith.constant 0 : index
    %swap3A_16 = arith.constant 0 : index
    %swap3A_17 = arith.constant 0 : index
    %swap3A_18 = vector.load %arg3[%swap3A, %swap3A_16, %swap3A_17] : memref<2x2000x128xf32, #tpu.memory_space<vmem>>, vector<1x2000x128xf32>
    %swap3A_19 = vector.shape_cast %swap3A_18 : vector<1x2000x128xf32> to vector<2000x128xf32>
    %swap3A_20 = vector.shape_cast %mul3A_15 : vector<2000x128xf32> to vector<1x2000x128xf32>
    tpu.vector_store %arg3[%swap3A, %swap3A_16, %swap3A_17], %swap3A_20 {strides = array<i32>} : memref<2x2000x128xf32, #tpu.memory_space<vmem>>, vector<1x2000x128xf32>,
    %get3A_21 = arith.constant 0 : index
    %get3A_22 = arith.constant 128 : index
    %get3A_23 = vector.load %arg1[%get3A_21, %get3A_22] : memref<2000x256xf32, #tpu.memory_space<vmem>>, vector<2000x128xf32>
    %mul3A_24 = vector.broadcast %rsqrt3A : vector<2000x1xf32> to vector<2000x128xf32>
    %mul3A_25 = arith.mulf %get3A_23, %mul3A_24 : vector<2000x128xf32>
    %swap3A_26 = arith.constant 1 : index
    %swap3A_27 = arith.constant 0 : index
    %swap3A_28 = arith.constant 0 : index
    %swap3A_29 = vector.load %arg3[%swap3A_26, %swap3A_27, %swap3A_28] : memref<2x2000x128xf32, #tpu.memory_space<vmem>>, vector<1x2000x128xf32>
    %swap3A_30 = vector.shape_cast %swap3A_29 : vector<1x2000x128xf32> to vector<2000x128xf32>
    %swap3A_31 = vector.shape_cast %mul3A_25 : vector<2000x128xf32> to vector<1x2000x128xf32>
    tpu.vector_store %arg3[%swap3A_26, %swap3A_27, %swap3A_28], %swap3A_31 {strides = array<i32>} : memref<2x2000x128xf32, #tpu.memory_space<vmem>>, vector<1x2000x128xf32>,
    return
  }
  func.func @transform_0(%arg0: i32) -> (i32, i32) {
    %c0_i32 = arith.constant 0 : i32
    %c0_i32_0 = arith.constant 0 : i32
    return %arg0, %c0_i32 : i32, i32
  }
  func.func @transform_1(%arg0: i32) -> (i32, i32, i32) {
    %c0_i32 = arith.constant 0 : i32
    %c0_i32_0 = arith.constant 0 : i32
    %c0_i32_1 = arith.constant 0 : i32
    return %c0_i32, %arg0, %c0_i32_0 : i32, i32, i32
  }
  func.func @transform_2(%arg0: i32) -> (i32, i32, i32) {
    %c0_i32 = arith.constant 0 : i32
    %c0_i32_0 = arith.constant 0 : i32
    %c0_i32_1 = arith.constant 0 : i32
    return %c0_i32, %arg0, %c0_i32_0 : i32, i32, i32
  }
}

module attributes {stable_mosaic.version = 14 : i64} {
  func.func @_matmul_body(%arg0: i32, %arg1: memref<2000x256xf32, #tpu.memory_space<vmem>>, %arg2: memref<256x256xf32, #tpu.memory_space<vmem>>, %arg3: memref<2000x256xf32, #tpu.memory_space<vmem>>) attributes {dimension_semantics = [#tpu.dimension_semantics<arbitrary>], iteration_bounds = array<i64: 5>, scalar_prefetch = 0 : i64, scratch_operands = 0 : i64, tpu.core_type = #tpu.core_type<tc>, window_params = [{transform_indices = @transform_0, window_bounds = array<i64: 2000, 256>}, {pipeline_mode = #tpu.pipeline_mode<synchronous>, transform_indices = @transform_1, window_bounds = array<i64: 256, 256>}, {transform_indices = @transform_2, window_bounds = array<i64: 2000, 256>}]} {
    %get3A = arith.constant 0 : index
    %get3A_0 = arith.constant 0 : index
    %get3A_1 = vector.load %arg1[%get3A, %get3A_0] : memref<2000x256xf32, #tpu.memory_space<vmem>>, vector<2000x256xf32>
    %get3A_2 = arith.constant 0 : index
    %get3A_3 = arith.constant 0 : index
    %get3A_4 = vector.load %arg2[%get3A_2, %get3A_3] : memref<256x256xf32, #tpu.memory_space<vmem>>, vector<256x256xf32>
    %dot_general3A = arith.constant dense<0.000000e+00> : vector<2000x256xf32>
    %dot_general3A_5 = tpu.matmul %get3A_1, %get3A_4, %dot_general3A {dimension_numbers = #tpu.dot_dimension_numbers<[1], [0], [0], [1], [0, 0, 1, 1], [], []>, transpose_lhs_hint = false} : vector<2000x256xf32>, vector<256x256xf32>, vector<2000x256xf32> -> vector<2000x256xf32>
    %swap3A = arith.constant 0 : index
    %swap3A_6 = arith.constant 0 : index
    %swap3A_7 = vector.load %arg3[%swap3A, %swap3A_6] : memref<2000x256xf32, #tpu.memory_space<vmem>>, vector<2000x256xf32>
    tpu.vector_store %arg3[%swap3A, %swap3A_6], %dot_general3A_5 {strides = array<i32>} : memref<2000x256xf32, #tpu.memory_space<vmem>>, vector<2000x256xf32>,
    return
  }
  func.func @transform_0(%arg0: i32) -> (i32, i32) {
    %c0_i32 = arith.constant 0 : i32
    %c0_i32_0 = arith.constant 0 : i32
    return %arg0, %c0_i32 : i32, i32
  }
  func.func @transform_1(%arg0: i32) -> (i32, i32) {
    %c0_i32 = arith.constant 0 : i32
    %c0_i32_0 = arith.constant 0 : i32
    %c0_i32_1 = arith.constant 0 : i32
    return %c0_i32, %c0_i32_0 : i32, i32
  }
  func.func @transform_2(%arg0: i32) -> (i32, i32) {
    %c0_i32 = arith.constant 0 : i32
    %c0_i32_0 = arith.constant 0 : i32
    return %arg0, %c0_i32 : i32, i32
  }
}

module attributes {stable_mosaic.version = 14 : i64} {
  func.func @_finish_body(%arg0: i32, %arg1: memref<2x2000x128xf32, #tpu.memory_space<vmem>>, %arg2: memref<2x2000x128xf32, #tpu.memory_space<vmem>>, %arg3: memref<2x2000x16xf32, #tpu.memory_space<vmem>>, %arg4: memref<1x256xf32, #tpu.memory_space<vmem>>, %arg5: memref<2000x256xf32, #tpu.memory_space<vmem>>) attributes {dimension_semantics = [#tpu.dimension_semantics<arbitrary>], iteration_bounds = array<i64: 5>, scalar_prefetch = 0 : i64, scratch_operands = 0 : i64, tpu.core_type = #tpu.core_type<tc>, window_params = [{transform_indices = @transform_0, window_bounds = array<i64: 2, 2000, 128>}, {transform_indices = @transform_1, window_bounds = array<i64: 2, 2000, 128>}, {transform_indices = @transform_2, window_bounds = array<i64: 2, 2000, 16>}, {pipeline_mode = #tpu.pipeline_mode<synchronous>, transform_indices = @transform_3, window_bounds = array<i64: 1, 256>}, {transform_indices = @transform_4, window_bounds = array<i64: 2000, 256>}]} {
    %get3A = arith.constant 0 : index
    %get3A_0 = arith.constant 0 : index
    %get3A_1 = arith.constant 0 : index
    %get3A_2 = vector.load %arg3[%get3A, %get3A_0, %get3A_1] : memref<2x2000x16xf32, #tpu.memory_space<vmem>>, vector<1x2000x1xf32>
    %get3A_3 = vector.shape_cast %get3A_2 : vector<1x2000x1xf32> to vector<2000x1xf32>
    %get3A_4 = arith.constant 1 : index
    %get3A_5 = arith.constant 0 : index
    %get3A_6 = arith.constant 0 : index
    %get3A_7 = vector.load %arg3[%get3A_4, %get3A_5, %get3A_6] : memref<2x2000x16xf32, #tpu.memory_space<vmem>>, vector<1x2000x1xf32>
    %get3A_8 = vector.shape_cast %get3A_7 : vector<1x2000x1xf32> to vector<2000x1xf32>
    %add3A = arith.addf %get3A_3, %get3A_8 : vector<2000x1xf32>
    %add3A_9 = arith.constant 1.000000e+00 : f32
    %add3A_10 = vector.broadcast %add3A_9 : f32 to vector<2000x1xf32>
    %add3A_11 = arith.addf %add3A, %add3A_10 : vector<2000x1xf32>
    %rsqrt3A = math.rsqrt %add3A_11 : vector<2000x1xf32>
    %get3A_12 = arith.constant 0 : index
    %get3A_13 = arith.constant 0 : index
    %get3A_14 = arith.constant 0 : index
    %get3A_15 = vector.load %arg1[%get3A_12, %get3A_13, %get3A_14] : memref<2x2000x128xf32, #tpu.memory_space<vmem>>, vector<1x2000x128xf32>
    %get3A_16 = vector.shape_cast %get3A_15 : vector<1x2000x128xf32> to vector<2000x128xf32>
    %get3A_17 = arith.constant 0 : index
    %get3A_18 = arith.constant 0 : index
    %get3A_19 = arith.constant 0 : index
    %get3A_20 = vector.load %arg2[%get3A_17, %get3A_18, %get3A_19] : memref<2x2000x128xf32, #tpu.memory_space<vmem>>, vector<1x2000x128xf32>
    %get3A_21 = vector.shape_cast %get3A_20 : vector<1x2000x128xf32> to vector<2000x128xf32>
    %add3A_22 = arith.addf %get3A_16, %get3A_21 : vector<2000x128xf32>
    %mul3A = vector.broadcast %rsqrt3A : vector<2000x1xf32> to vector<2000x128xf32>
    %mul3A_23 = arith.mulf %add3A_22, %mul3A : vector<2000x128xf32>
    %get3A_24 = arith.constant 0 : index
    %get3A_25 = arith.constant 0 : index
    %get3A_26 = vector.load %arg4[%get3A_24, %get3A_25] : memref<1x256xf32, #tpu.memory_space<vmem>>, vector<1x128xf32>
    %get3A_27 = vector.shape_cast %get3A_26 : vector<1x128xf32> to vector<128xf32>
    %broadcast_in_dim3A = vector.shape_cast %get3A_27 : vector<128xf32> to vector<1x128xf32>
    %add3A_28 = vector.broadcast %broadcast_in_dim3A : vector<1x128xf32> to vector<2000x128xf32>
    %add3A_29 = arith.addf %mul3A_23, %add3A_28 : vector<2000x128xf32>
    %swap3A = arith.constant 0 : index
    %swap3A_30 = arith.constant 0 : index
    %swap3A_31 = vector.load %arg5[%swap3A, %swap3A_30] : memref<2000x256xf32, #tpu.memory_space<vmem>>, vector<2000x128xf32>
    tpu.vector_store %arg5[%swap3A, %swap3A_30], %add3A_29 {strides = array<i32>} : memref<2000x256xf32, #tpu.memory_space<vmem>>, vector<2000x128xf32>,
    %get3A_32 = arith.constant 1 : index
    %get3A_33 = arith.constant 0 : index
    %get3A_34 = arith.constant 0 : index
    %get3A_35 = vector.load %arg1[%get3A_32, %get3A_33, %get3A_34] : memref<2x2000x128xf32, #tpu.memory_space<vmem>>, vector<1x2000x128xf32>
    %get3A_36 = vector.shape_cast %get3A_35 : vector<1x2000x128xf32> to vector<2000x128xf32>
    %get3A_37 = arith.constant 1 : index
    %get3A_38 = arith.constant 0 : index
    %get3A_39 = arith.constant 0 : index
    %get3A_40 = vector.load %arg2[%get3A_37, %get3A_38, %get3A_39] : memref<2x2000x128xf32, #tpu.memory_space<vmem>>, vector<1x2000x128xf32>
    %get3A_41 = vector.shape_cast %get3A_40 : vector<1x2000x128xf32> to vector<2000x128xf32>
    %add3A_42 = arith.addf %get3A_36, %get3A_41 : vector<2000x128xf32>
    %mul3A_43 = vector.broadcast %rsqrt3A : vector<2000x1xf32> to vector<2000x128xf32>
    %mul3A_44 = arith.mulf %add3A_42, %mul3A_43 : vector<2000x128xf32>
    %get3A_45 = arith.constant 0 : index
    %get3A_46 = arith.constant 128 : index
    %get3A_47 = vector.load %arg4[%get3A_45, %get3A_46] : memref<1x256xf32, #tpu.memory_space<vmem>>, vector<1x128xf32>
    %get3A_48 = vector.shape_cast %get3A_47 : vector<1x128xf32> to vector<128xf32>
    %broadcast_in_dim3A_49 = vector.shape_cast %get3A_48 : vector<128xf32> to vector<1x128xf32>
    %add3A_50 = vector.broadcast %broadcast_in_dim3A_49 : vector<1x128xf32> to vector<2000x128xf32>
    %add3A_51 = arith.addf %mul3A_44, %add3A_50 : vector<2000x128xf32>
    %swap3A_52 = arith.constant 0 : index
    %swap3A_53 = arith.constant 128 : index
    %swap3A_54 = vector.load %arg5[%swap3A_52, %swap3A_53] : memref<2000x256xf32, #tpu.memory_space<vmem>>, vector<2000x128xf32>
    tpu.vector_store %arg5[%swap3A_52, %swap3A_53], %add3A_51 {strides = array<i32>} : memref<2000x256xf32, #tpu.memory_space<vmem>>, vector<2000x128xf32>,
    return
  }
  func.func @transform_0(%arg0: i32) -> (i32, i32, i32) {
    %c0_i32 = arith.constant 0 : i32
    %c0_i32_0 = arith.constant 0 : i32
    %c0_i32_1 = arith.constant 0 : i32
    return %c0_i32, %arg0, %c0_i32_0 : i32, i32, i32
  }
  func.func @transform_1(%arg0: i32) -> (i32, i32, i32) {
    %c0_i32 = arith.constant 0 : i32
    %c0_i32_0 = arith.constant 0 : i32
    %c0_i32_1 = arith.constant 0 : i32
    return %c0_i32, %arg0, %c0_i32_0 : i32, i32, i32
  }
  func.func @transform_2(%arg0: i32) -> (i32, i32, i32) {
    %c0_i32 = arith.constant 0 : i32
    %c0_i32_0 = arith.constant 0 : i32
    %c0_i32_1 = arith.constant 0 : i32
    return %c0_i32, %arg0, %c0_i32_0 : i32, i32, i32
  }
  func.func @transform_3(%arg0: i32) -> (i32, i32) {
    %c0_i32 = arith.constant 0 : i32
    %c0_i32_0 = arith.constant 0 : i32
    %c0_i32_1 = arith.constant 0 : i32
    return %c0_i32, %c0_i32_0 : i32, i32
  }
  func.func @transform_4(%arg0: i32) -> (i32, i32) {
    %c0_i32 = arith.constant 0 : i32
    %c0_i32_0 = arith.constant 0 : i32
    return %arg0, %c0_i32 : i32, i32
  }
}

</mosaic_0001>

<sc_bundles>
// kernel: kernel.10.cloned.1.call-start
scs
__scs_entry_jumppad:
0x0: {  	(pc) =	sbr.rel $0x88, $3  }
0x1: {  	(tag) =	ssettag $0x0;
	lr =	simm.s32 $0x1  }
0x2: {  	[smem:$0x3F9D] =	sst lr;
	_ =	strace $0xD0000000  }
0x3: {  	_ = 	snop  }
0x4: {  	_ = 	snop  }
0x5: {  	_ = 	snop  }
0x6: {  	_ = 	snop  }
0x7: {  	_ = 	snop  }
__scs_overlays_trampoline_lowered:
0x8: {  	[smem:$0x3FAC] =	sst s0  }
0x9: {  	[smem:$0x3FAD] =	sst s1  }
0xa: {  	[smem:$0x3FAE] =	sst s2  }
0xb: {  	[smem:$0x3FAF] =	sst s3  }
0xc: {  	[smem:$0x3FB0] =	sst s4  }
0xd: {  	[smem:$0x3FB1] =	sst s5  }
0xe: {  	[smem:$0x3FB2] =	sst s6  }
0xf: {  	[smem:$0x3FB3] =	sst s7  }
0x10: {  	[smem:$0x3FB4] =	sst s8  }
0x11: {  	[smem:$0x3FB5] =	sst s9;
	s0 =	simm.s32 @!p0 $0x0  }
0x12: {  	s1 =	sld [smem:$0x3F9B];
	s0 =	simm.s32 @p0 $0x1  }
0x13: {  	[smem:$0x3FB6] =	sst s0;
	s0 =	simm.s32 @!p1 $0x0  }
0x14: {  	s2 =	sld [smem:$0x3F9A];
	s0 =	simm.s32 @p1 $0x1  }
0x15: {  	[smem:$0x3FB7] =	sst s0;
	s0 =	simm.s32 @!p2 $0x0  }
0x16: {  	s3 =	sld [smem:$0x3FDB];
	s0 =	simm.s32 @p2 $0x1  }
0x17: {  	s4 =	simm.s32 $0x1BF5;
	[smem:$0x3FB9] =	sst s0  }
0x18: {  	s0 =	sld [smem:$0x3F9C];
	_ =	swait.ge [sflag:s4], $0x0  }
0x19: {  	s7 =	sld [smem:$0x3F9D]  }
0x1a: {  	s8 =	sadd.s32 $0xFFFFE003, lr  }
0x1b: {  	s9 =	sadd.s32 $0xFFFFFEF7, lr;
	s5 =	simm.s32 $0xFFFFFFFF;
	p2 =	slt.u32 s8, $0xFFFFF086  }
0x1c: {  	p1 =	slt.u32 s9, $0xF7A;
	s5 =	simm.s32 @!p2 $0x0  }
0x1d: {  	s5 =	simm.s32 @p1 $0x1;
	p0 =	seq.s32 s7, s2  }
0x1e: {  	s7 =	smul.u32 @!p0 $0xF7A, s2;
	p2 =	seq.s32 @!p0 s5, $0x0  }
0x1f: {  	s9 =	smul.u32 $0xF7A, s1;
	s8 =	simm.s32 @!p0 $0x1BF5;
	p2 =	por !p2, p0  }
0x20: {  	[sflag:s8] =	ssyncset.s32 @!p0 $0xFFFFF086;
	s6 =	sadd.s32 @!p0 s3, s7;
	s7 =	simm.s32 @!p0 $0x108  }
0x21: {  	s3 =	sadd.s32 s3, s9;
	s6 =	sadd.s32 @!p0 $0x88, s6;
	s7 =	simm.s32 @p2 $0x1082  }
0x22: {  	[simem:s7], [sflag:s8] =	dma.local @!p0 [hbm:s6], $0xF7A  }
0x23: {  	s9 =	sor.u32 $0xD0000000, s2;
	s6 =	simm.s32 $0x108;
	_ =	swait.ge @!p0 [sflag:s8], $0x0  }
0x24: {  	s3 =	sadd.s32 $0x88, s3;
	s6 =	simm.s32 @!p1 $0x1082;
	[sflag:s4] =	ssyncset.s32 $0xFFFFF086  }
0x25: {  	[simem:s6], [sflag:s4] =	dma.local [hbm:s3], $0xF7A  }
0x26: {  	[smem:$0x3F9D] =	sst s1;
	(tag) =	ssettag s2;
	_ =	strace s9  }
0x27: {  	s1 =	sld [smem:$0x3FAD]  }
0x28: {  	s2 =	sld [smem:$0x3FAE]  }
0x29: {  	s4 =	sld [smem:$0x3FB0]  }
0x2a: {  	p0 =	seq.s32 s5, $0x0;
	s5 =	sld [smem:$0x3FB1]  }
0x2b: {  	s6 =	sld [smem:$0x3FB2]  }
0x2c: {  	s7 =	sld [smem:$0x3FB3]  }
0x2d: {  	s3 =	simm.s32 $0x108;
	s8 =	sld [smem:$0x3FB4]  }
0x2e: {  	s3 =	simm.s32 @!p0 $0x1082;
	s9 =	sld [smem:$0x3FB5]  }
0x2f: {  	lr =	sadd.s32 s0, s3;
	s0 =	sld [smem:$0x3FAC]  }
0x30: {  	s3 =	sld [smem:$0x3FAF]  }
0x31: {  	[smem:$0x3FB8] =	sst s10  }
0x32: {  	s10 =	sld [smem:$0x3FB6];
	_ =	sdelay $0x3  }
0x33: {  	p0 =	seq.s32 s10, $0x1;
	s10 =	sld [smem:$0x3FB8];
	_ =	sdelay $0x3  }
0x34: {  	[smem:$0x3FB8] =	sst s10  }
0x35: {  	s10 =	sld [smem:$0x3FB7];
	_ =	sdelay $0x3  }
0x36: {  	p1 =	seq.s32 s10, $0x1;
	s10 =	sld [smem:$0x3FB8];
	_ =	sdelay $0x3  }
0x37: {  	[smem:$0x3FB8] =	sst s10  }
0x38: {  	s10 =	sld [smem:$0x3FB9]  }
0x39: {  	_ = 	snop;
	(pc) =	sbr.ind lr, $3  }
0x3a: {  	_ = 	snop  }
0x3b: {  	_ = 	snop  }
0x3c: {  	p2 =	seq.s32 s10, $0x1;
	s10 =	sld [smem:$0x3FB8]  }
0x3d: {  	_ =	shalt  }
0x3e: {  	_ =	shalt  }
0x3f: {  	_ =	shalt  }
0x40: {  	_ =	shalt  }
0x41: {  	_ =	shalt  }
0x42: {  	_ =	shalt  }
0x43: {  	_ =	shalt  }
0x44: {  	_ =	shalt  }
0x45: {  	_ =	shalt  }
0x46: {  	_ =	shalt  }
0x47: {  	_ =	shalt  }
0x48: {  	_ =	shalt  }
0x49: {  	_ =	shalt  }
0x4a: {  	_ =	shalt  }
0x4b: {  	_ =	shalt  }
0x4c: {  	_ =	shalt  }
0x4d: {  	_ =	shalt  }
0x4e: {  	_ =	shalt  }
0x4f: {  	_ =	shalt  }
0x50: {  	_ =	shalt  }
0x51: {  	_ =	shalt  }
0x52: {  	_ =	shalt  }
0x53: {  	_ =	shalt  }
0x54: {  	_ =	shalt  }
0x55: {  	_ =	shalt  }
0x56: {  	_ =	shalt  }
0x57: {  	_ =	shalt  }
0x58: {  	_ =	shalt  }
0x59: {  	_ =	shalt  }
0x5a: {  	_ =	shalt  }
0x5b: {  	_ =	shalt  }
0x5c: {  	_ =	shalt  }
0x5d: {  	_ =	shalt  }
0x5e: {  	_ =	shalt  }
0x5f: {  	_ =	shalt  }
0x60: {  	_ =	shalt  }
0x61: {  	_ =	shalt  }
0x62: {  	_ =	shalt  }
0x63: {  	_ =	shalt  }
0x64: {  	_ =	shalt  }
0x65: {  	_ =	shalt  }
0x66: {  	_ =	shalt  }
0x67: {  	_ =	shalt  }
0x68: {  	_ =	shalt  }
0x69: {  	_ =	shalt  }
0x6a: {  	_ =	shalt  }
0x6b: {  	_ =	shalt  }
0x6c: {  	_ =	shalt  }
0x6d: {  	_ =	shalt  }
0x6e: {  	_ =	shalt  }
0x6f: {  	_ =	shalt  }
0x70: {  	_ =	shalt  }
0x71: {  	_ =	shalt  }
0x72: {  	_ =	shalt  }
0x73: {  	_ =	shalt  }
0x74: {  	_ =	shalt  }
0x75: {  	_ =	shalt  }
0x76: {  	_ =	shalt  }
0x77: {  	_ =	shalt  }
0x78: {  	_ =	shalt  }
0x79: {  	_ =	shalt  }
0x7a: {  	_ =	shalt  }
0x7b: {  	_ =	shalt  }
0x7c: {  	_ =	shalt  }
0x7d: {  	_ =	shalt  }
0x7e: {  	_ =	shalt  }
0x7f: {  	_ =	shalt  }
0x80: {  	_ =	shalt  }
0x81: {  	_ =	shalt  }
0x82: {  	_ =	shalt  }
0x83: {  	_ =	shalt  }
0x84: {  	_ =	shalt  }
0x85: {  	_ =	shalt  }
0x86: {  	_ =	shalt  }
0x87: {  	_ =	shalt  }
.Lfunc_end0:
.L_simem_size_0:
called_computation.1_lowered:
.L_overlay_start_0:
0x88: {  	s2 =	sld [smem:$0x3FD9]  }
0x89: {  	s3 =	sld [smem:$0x3FFE];
	_ =	sdelay $0x1  }
0x8a: {  	s1 =	srdreg.scid  }
0x8b: {  	s0 =	sand.u32 $0x1, s1  }
0x8c: {  	s17 =	sshll.u32 s0, $0xA;
	s2 =	sadd.s32 s3, s2  }
0x8d: {  	s2 =	sadd.s32 s2, s17  }
0x8e: {  	[smem:$0x3FC4] =	sst s2  }
0x8f: {  	_ = 	snop  }
0x90: {  	s2 =	sld [smem:$0x3FD0];
	(tm) =	ssettm $0x1  }
0x91: {  	s18 =	sld [smem:$0x3FFB];
	_ =	sdelay $0x3  }
0x92: {  	_ =	strace s18  }
0x93: {  	s3 =	sld [smem:$0x3FFC];
	_ =	sdelay $0x3  }
0x94: {  	_ =	strace s3  }
0x95: {  	s3 =	sld [smem:$0x3FFD];
	_ =	sdelay $0x3  }
0x96: {  	_ =	strace s3  }
0x97: {  	_ =	strace $0x8FFFFFFF  }
0x98: {  	s19 =	sld [smem:$0x3FDB];
	_ =	sdelay $0x1  }
0x99: {  	s4 =	simm.s32 $_scs_section_size  }
0x9a: {  	s5 =	simm.s32 $_size__tile_overlayer_lowered;
	s6 =	simm.s32 $_tile_overlayer_lowered  }
0x9b: {  	s22 =	simm.s32 $0x1BFF;
	s21 =	sshll.u32 s6, $0x1;
	s3 =	sadd.s32 s4, s19  }
0x9c: {  	s7 =	simm.s32 $0x0;
	s20 =	sshll.u32 s5, $0x1;
	s5 =	sadd.s32 s21, s3  }
0x9d: {  	[timem:s7], [sflag:s22] =	dma.local [hbm:s5], s20  }
0x9e: {  	_ =	swait.ge [sflag:s22], s20  }
0x9f: {  	s4 =	ssub.s32 $0x0, s20;
	[sflag:s22] =	ssyncset.done $0x0  }
0xa0: {  	[sflag:s22] =	ssyncadd.s32 s4;
	_ =	sdelay $0x1  }
0xa1: {  	s23 =	simm.s32 $0x1B8B  }
0xa2: {  	_ =	swait.ge [sflag:s23], $0x1  }
0xa3: {  	[sflag:s23] =	ssyncset.done $0x0  }
0xa4: {  	s25 =	simm.s32 $0x1B8E;
	s24 =	sld [smem:$0x3FFE];
	[sflag:s23] =	ssyncadd.s32 $0xFFFFFFFF  }
0xa5: {  	s26 =	simm.s32 $execute0_lowered;
	[smem:$0x3FD2] =	sst s25  }
0xa6: {  	s5 =	sshll.u32 s26, $0x1;
	_ =	strace $0x80000049;
	[dreg:$0x1] =	wrdreg $0xFFFFFFFF  }
0xa7: {  	s28 =	simm.s32 $_size_execute0_lowered;
	s3 =	sadd.s32 s3, s5;
	[dreg:$0x0] =	wrdreg $0x0  }
0xa8: {  	s5 =	sshll.u32 s28, $0x1;
	[dreg:$0x2] =	wrdreg s3  }
0xa9: {  	[dreg:$0x3] =	wrdreg s5  }
0xaa: {  	[dreg:$0x4] =	wrdreg $0xC0  }
0xab: {  	_ =	task [dreg:s7], $0x5FFFF  }
0xac: {  	[dreg:$0x1] =	wrdreg $0xFFFFFFFF  }
0xad: {  	[dreg:$0x0] =	wrdreg $0x60  }
0xae: {  	[dreg:$0x2] =	wrdreg s24  }
0xaf: {  	[dreg:$0x3] =	wrdreg s2  }
0xb0: {  	[dreg:$0x4] =	wrdreg $0xA8000  }
0xb1: {  	[dreg:$0x5] =	wrdreg $0x9  }
0xb2: {  	_ =	task.clear_ibuf [dreg:s7], $0x6FFFF;
	_ =	strace $0x90000049  }
0xb3: {  	s29 =	simm.s32 $0x9;
	_ =	strace $0x8000004B  }
0xb4: {  	_ =	swait.ge [sflag:s29], $0x1  }
0xb5: {  	[sflag:s29] =	ssyncadd.s32 $0xFFFFFFFF  }
0xb6: {  	_ =	strace $0x9000004B  }
0xb7: {  	_ =	sfence  }
0xb8: {  	s30 =	sld [smem:$0x0];
	_ =	sdelay $0x2  }
0xb9: {  	s31 =	sshll.u32 s1, $0xD;
	s1 =	sshrl.u32 s1, $0x2  }
0xba: {  	s3 =	sand.u32 $0x4000, s31;
	s1 =	sadd.s32 s1, s30  }
0xbb: {  	s0 =	sor.u32 s3, s0;
	s1 =	sshll.u32 s1, $0x11  }
0xbc: {  	s0 =	sor.u32 s1, s0  }
0xbd: {  	s0 =	sadd.s32 $0x8F2B, s0  }
0xbe: {  	[sflag:s0] =	ssyncadd.remote.s32 $0x1  }
0xbf: {  	_ =	sfence.sel $0xFFFF  }
0xc0: {  	[dreg:$0x0] =	wrdreg $0xFFFFFFFF;
	(pc) =	sbr.abs _section_cstart, $3  }
0xc1: {  	[dreg:$0x1] =	wrdreg $0xFFFFFFFF  }
0xc2: {  	_ =	task.clear_ibuf [dreg:s7], $0x2FFFF;
	_ =	strace $0x9FFFFFFF  }
0xc3: {  	(tm) =	ssettm $0x7FFFFFFF  }
tec
execute0_lowered:
.L_overlay_start_1:
0x0: {  	(tag) =	ssettag $0x1  }
0x1: {  	s4 =	rddreg [dreg:$0x0]  }
0x2: {  	s5 =	rddreg [dreg:$0x1]  }
0x3: {  	s1 =	rddreg [dreg:$0x2]  }
0x4: {  	s2 =	srdreg.scid;
	s0 =	rddreg [dreg:$0x3];
	s3 =	simm.s32 $0x0  }
0x5: {  	s17 =	simm.s32 $0x5;
	s18 =	simm.s32 $0x1400;
	s19 =	simm.s32 $0x80  }
0x6: {  	s20 =	simm.s32 $0x6800;
	s21 =	simm.s32 $0x1;
	s22 =	simm.s32 $0x2  }
0x7: {  	s23 =	simm.s32 $0x3;
	s24 =	simm.s32 $0x4;
	s6 =	sand.u32 $0x1, s2  }
0x8: {  	s25 =	simm.s32 $0x2700;
	s2 =	stileid.u32;
	s7 =	smul.u32 $0x140000, s6  }
0x9: {  	s26 =	simm.s32 $0x2780;
	[smem:$0x7FF] =	sst s3;
	s8 =	smul.u32 $0x14000, s2  }
0xa: {  	s14 =	sadd.s32 $0x6800, s4;
	s15 =	sadd.s32 $0x1800, s4;
	s31 =	smul.u32 $0x50000, s2  }
0xb: {  	_ =	strace $0x8000004A;
	s9 =	ssub.s32 $0x2, s6;
	s6 =	smul.u32 $0x27100, s6  }
0xc: {  	s13 =	smul.u32 $0x500, s2;
	s10 =	sshrl.u32 s9, $0x1;
	s7 =	sadd.s32 s8, s7  }
0xd: {  	s8 =	sshrl.u32 s31, $0x2;
	s9 =	ssub.s32 s9, s10;
	s5 =	sadd.s32 s5, s6  }
0xe: {  	s16 =	sadd.s32 $0x280, s13;
	s12 =	sadd.s32 s14, s13;
	s13 =	sadd.s32 s15, s13  }
0xf: {  	s7 =	sshrl.u32 s7, $0x3;
	s14 =	sadd.s32 s14, s16;
	s15 =	sadd.s32 s15, s16  }
0x10: {  	s16 =	simm.s32 $0x2800;
	s7 =	sadd.s32 s7, s4;
	s4 =	sadd.s32 s8, s1  }
0x11: {  	s6 =	sadd.s32 $0x5B800, s7;
	s7 =	smax.u32 s9, $0x1;
	s8 =	sadd.s32 $0x4000, s4  }
0x12: {  	v0 =	vimm.f32 $0.0e+00;
	s9 =	sadd.s32 $0x8000, s4;
	s10 =	sadd.s32 $0xC000, s4;
	s11 =	sadd.s32 $0x10000, s4  }
.LBB2_1:
0x13: {  	s28 =	simm.s32 $0x0;
	s29 =	simm.s32 $0x200  }
.LBB2_2:
0x14: {  	p0 =	sne.s32 s29, $0xFE00;
	[tilespmem:s28+$0x2870] =	vst v0  }
0x15: {  	[tilespmem:s28+$0x2800] =	vst v0  }
0x16: {  	[tilespmem:s28+$0x2810] =	vst v0  }
.Ltmp0:
0x17: {  	[tilespmem:s28+$0x2820] =	vst v0;
	(pc) =	sbr.rel @p0 .LBB2_2-.Ltmp0, $4  }
0x18: {  	[tilespmem:s28+$0x2830] =	vst v0  }
0x19: {  	[tilespmem:s28+$0x2840] =	vst v0  }
0x1a: {  	[tilespmem:s28+$0x2850] =	vst v0  }
0x1b: {  	[tilespmem:s28+$0x2860] =	vst v0;
	s28 =	sshra.s32 s29, $0x2;
	s29 =	sadd.s32 $0x200, s29  }
0x1c: {  	[tilespmem:s28+$0x2870] =	vst v0  }
0x1d: {  	[tilespmem:s28+$0x2800] =	vst v0  }
0x1e: {  	[tilespmem:s28+$0x2810] =	vst v0  }
0x1f: {  	[tilespmem:s28+$0x2820] =	vst v0  }
0x20: {  	[tilespmem:s28+$0x2830] =	vst v0  }
0x21: {  	[tilespmem:s28+$0x2840] =	vst v0  }
0x22: {  	[tilespmem:s28+$0x2850] =	vst v0  }
0x23: {  	[tilespmem:s28+$0x2860] =	vst v0  }
0x24: {  	[spmem:s4] =	stream.linear.scatter [tilespmem:s16], [sflag:$0x5], $0x4000, $0x38;
	[tilespmem:$0x1E800] =	vst v63  }
0x25: {  	_ =	swait.ge [sflag:s17], $0x4000  }
0x26: {  	[sflag:s17] =	ssyncset.done $0x0  }
0x27: {  	[sflag:s17] =	ssyncadd.s32 $0xFFFFC000  }
0x28: {  	[spmem:s8] =	stream.linear.scatter [tilespmem:s16], [sflag:$0x5], $0x4000, $0x38;
	[tilespmem:$0x1E800] =	vst v63  }
0x29: {  	_ =	swait.ge [sflag:s17], $0x4000  }
0x2a: {  	[sflag:s17] =	ssyncset.done $0x0  }
0x2b: {  	[sflag:s17] =	ssyncadd.s32 $0xFFFFC000  }
0x2c: {  	[spmem:s9] =	stream.linear.scatter [tilespmem:s16], [sflag:$0x5], $0x4000, $0x38;
	[tilespmem:$0x1E800] =	vst v63  }
0x2d: {  	_ =	swait.ge [sflag:s17], $0x4000  }
0x2e: {  	[sflag:s17] =	ssyncset.done $0x0  }
0x2f: {  	[sflag:s17] =	ssyncadd.s32 $0xFFFFC000  }
0x30: {  	[spmem:s10] =	stream.linear.scatter [tilespmem:s16], [sflag:$0x5], $0x4000, $0x38;
	[tilespmem:$0x1E800] =	vst v63  }
0x31: {  	_ =	swait.ge [sflag:s17], $0x4000  }
0x32: {  	[sflag:s17] =	ssyncset.done $0x0  }
0x33: {  	[sflag:s17] =	ssyncadd.s32 $0xFFFFC000  }
0x34: {  	[spmem:s11] =	stream.linear.scatter [tilespmem:s16], [sflag:$0x5], $0x4000, $0x38;
	[tilespmem:$0x1E800] =	vst v63  }
0x35: {  	_ =	swait.ge [sflag:s17], $0x4000  }
0x36: {  	[sflag:s17] =	ssyncset.done $0x0  }
0x37: {  	[sflag:s17] =	ssyncadd.s32 $0xFFFFC000  }
0x38: {  	s28 =	simm.s32 $0x0;
	[bflag:$0x0] =	sbarrier.arrive $0xFFFF  }
0x39: {  	[tilespmem:s28], [sflag:$0x5] =	stream.linear.gather [hbm4b:s12+s28], $0x1400, $0x38;
	[tilespmem:$0x1E800] =	vst v63  }
0x3a: {  	_ =	swait.ge [sflag:s17], $0x1400  }
0x3b: {  	[sflag:s17] =	ssyncset.done $0x0  }
0x3c: {  	[sflag:s17] =	ssyncadd.s32 $0xFFFFEC00  }
0x3d: {  	[tilespmem:s18], [sflag:$0x5] =	stream.linear.gather [hbm4b:s13+s28], $0x1400, $0x38;
	[tilespmem:$0x1E800] =	vst v63  }
0x3e: {  	_ =	swait.ge [sflag:s17], $0x1400  }
0x3f: {  	[sflag:s17] =	ssyncset.done $0x0  }
0x40: {  	[sflag:s17] =	ssyncadd.s32 $0xFFFFEC00  }
0x41: {  	[tilespmem:s16], [sflag:$0x1] =	stream.indirect.gather [hbm4b:s5+s19], $0x80, s28, s19, $0xb8;
	[tilespmem:$0x1E800] =	vst v63  }
0x42: {  	_ = 	snop  }
0x43: {  	[tilespmem:s20], [sflag:$0x2] =	stream.indirect.gather [hbm4b:s5+s19], $0x80, s19, s19, $0xb8;
	[tilespmem:$0x1E800] =	vst v63  }
0x44: {  	_ =	swait.ge [sflag:s21], $0x4000  }
0x45: {  	[sflag:s21] =	ssyncset.done $0x0  }
0x46: {  	s28 =	simm.s32 $0x1400;
	[sflag:s21] =	ssyncadd.s32 $0xFFFFC000  }
0x47: {  	[spmem:s1] =	stream.indirect.scatter.add.f32 [tilespmem:s16], [sflag:$0x3], $0x80, s28, s19, $0xb8;
	[tilespmem:$0x1E800] =	vst v63  }
0x48: {  	_ =	swait.ge [sflag:s22], $0x4000  }
0x49: {  	[sflag:s22] =	ssyncset.done $0x0  }
0x4a: {  	s28 =	simm.s32 $0x1480;
	[sflag:s22] =	ssyncadd.s32 $0xFFFFC000  }
0x4b: {  	[spmem:s1] =	stream.indirect.scatter.add.f32 [tilespmem:s20], [sflag:$0x4], $0x80, s28, s19, $0xb8;
	[tilespmem:$0x1E800] =	vst v63  }
0x4c: {  	_ =	swait.ge [sflag:s23], $0x4000  }
0x4d: {  	[sflag:s23] =	ssyncset.done $0x0  }
0x4e: {  	s28 =	simm.s32 $0x100;
	[sflag:s23] =	ssyncadd.s32 $0xFFFFC000  }
0x4f: {  	[tilespmem:s16], [sflag:$0x1] =	stream.indirect.gather [hbm4b:s5+s19], $0x80, s28, s19, $0xb8;
	[tilespmem:$0x1E800] =	vst v63  }
0x50: {  	_ =	swait.ge [sflag:s24], $0x4000  }
0x51: {  	[sflag:s24] =	ssyncset.done $0x0  }
0x52: {  	s29 =	simm.s32 $0x180;
	s28 =	simm.s32 $0x400;
	[sflag:s24] =	ssyncadd.s32 $0xFFFFC000  }
.LBB2_4:
0x53: {  	[tilespmem:s20], [sflag:$0x2] =	stream.indirect.gather [hbm4b:s5+s19], $0x80, s29, s19, $0xb8;
	[tilespmem:$0x1E800] =	vst v63  }
0x54: {  	s29 =	smov.u32 s28  }
0x55: {  	p0 =	sne.s32 s28, $0x4800;
	s28 =	sadd.s32 $0x400, s28;
	_ =	swait.ge [sflag:s21], $0x4000  }
0x56: {  	s29 =	sshra.s32 s29, $0x2;
	[sflag:s21] =	ssyncset.done $0x0  }
0x57: {  	s30 =	sadd.s32 $0x1400, s29;
	[sflag:s21] =	ssyncadd.s32 $0xFFFFC000  }
0x58: {  	[spmem:s1] =	stream.indirect.scatter.add.f32 [tilespmem:s16], [sflag:$0x3], $0x80, s30, s19, $0xb8;
	[tilespmem:$0x1E800] =	vst v63  }
0x59: {  	_ =	swait.ge [sflag:s22], $0x4000  }
0x5a: {  	[sflag:s22] =	ssyncset.done $0x0  }
0x5b: {  	s30 =	sadd.s32 $0x1480, s29;
	[sflag:s22] =	ssyncadd.s32 $0xFFFFC000  }
0x5c: {  	[spmem:s1] =	stream.indirect.scatter.add.f32 [tilespmem:s20], [sflag:$0x4], $0x80, s30, s19, $0xb8;
	[tilespmem:$0x1E800] =	vst v63  }
0x5d: {  	_ =	swait.ge [sflag:s23], $0x4000  }
0x5e: {  	[sflag:s23] =	ssyncset.done $0x0  }
.Ltmp1:
0x5f: {  	s30 =	sadd.s32 $0x100, s29;
	[sflag:s23] =	ssyncadd.s32 $0xFFFFC000;
	(pc) =	sbr.rel @p0 .LBB2_4-.Ltmp1, $4  }
0x60: {  	[tilespmem:s16], [sflag:$0x1] =	stream.indirect.gather [hbm4b:s5+s19], $0x80, s30, s19, $0xb8;
	[tilespmem:$0x1E800] =	vst v63  }
0x61: {  	_ =	swait.ge [sflag:s24], $0x4000  }
0x62: {  	[sflag:s24] =	ssyncset.done $0x0  }
0x63: {  	s29 =	sadd.s32 $0x180, s29;
	[sflag:s24] =	ssyncadd.s32 $0xFFFFC000  }
0x64: {  	[tilespmem:s20], [sflag:$0x2] =	stream.indirect.gather [hbm4b:s5+s19], $0x80, s29, s19, $0xb8;
	[tilespmem:$0x1E800] =	vst v63  }
0x65: {  	_ =	swait.ge [sflag:s21], $0x4000  }
0x66: {  	[sflag:s21] =	ssyncset.done $0x0  }
0x67: {  	[sflag:s21] =	ssyncadd.s32 $0xFFFFC000  }
0x68: {  	[spmem:s1] =	stream.indirect.scatter.add.f32 [tilespmem:s16], [sflag:$0x3], $0x80, s25, s19, $0xb8;
	[tilespmem:$0x1E800] =	vst v63  }
0x69: {  	_ =	swait.ge [sflag:s22], $0x4000  }
0x6a: {  	[sflag:s22] =	ssyncset.done $0x0  }
0x6b: {  	[sflag:s22] =	ssyncadd.s32 $0xFFFFC000  }
0x6c: {  	[spmem:s1] =	stream.indirect.scatter.add.f32 [tilespmem:s20], [sflag:$0x4], $0x80, s26, s19, $0xb8;
	[tilespmem:$0x1E800] =	vst v63  }
0x6d: {  	_ =	swait.ge [sflag:s23], $0x4000  }
0x6e: {  	[sflag:s23] =	ssyncset.done $0x0  }
0x6f: {  	[sflag:s23] =	ssyncadd.s32 $0xFFFFC000  }
0x70: {  	_ =	swait.ge [sflag:s24], $0x4000  }
0x71: {  	[sflag:s24] =	ssyncset.done $0x0  }
0x72: {  	s28 =	simm.s32 $0x0;
	[sflag:s24] =	ssyncadd.s32 $0xFFFFC000  }
0x73: {  	[tilespmem:s28], [sflag:$0x5] =	stream.linear.gather [hbm4b:s14+s28], $0x1400, $0x38;
	[tilespmem:$0x1E800] =	vst v63  }
0x74: {  	_ =	swait.ge [sflag:s17], $0x1400  }
0x75: {  	[sflag:s17] =	ssyncset.done $0x0  }
0x76: {  	[sflag:s17] =	ssyncadd.s32 $0xFFFFEC00  }
0x77: {  	[tilespmem:s18], [sflag:$0x5] =	stream.linear.gather [hbm4b:s15+s28], $0x1400, $0x38;
	[tilespmem:$0x1E800] =	vst v63  }
0x78: {  	_ =	swait.ge [sflag:s17], $0x1400  }
0x79: {  	[sflag:s17] =	ssyncset.done $0x0  }
0x7a: {  	[sflag:s17] =	ssyncadd.s32 $0xFFFFEC00  }
0x7b: {  	[tilespmem:s16], [sflag:$0x1] =	stream.indirect.gather [hbm4b:s5+s19], $0x80, s28, s19, $0xb8;
	[tilespmem:$0x1E800] =	vst v63  }
0x7c: {  	_ = 	snop  }
0x7d: {  	[tilespmem:s20], [sflag:$0x2] =	stream.indirect.gather [hbm4b:s5+s19], $0x80, s19, s19, $0xb8;
	[tilespmem:$0x1E800] =	vst v63  }
0x7e: {  	_ =	swait.ge [sflag:s21], $0x4000  }
0x7f: {  	[sflag:s21] =	ssyncset.done $0x0  }
0x80: {  	s28 =	simm.s32 $0x1400;
	[sflag:s21] =	ssyncadd.s32 $0xFFFFC000  }
0x81: {  	[spmem:s1] =	stream.indirect.scatter.add.f32 [tilespmem:s16], [sflag:$0x3], $0x80, s28, s19, $0xb8;
	[tilespmem:$0x1E800] =	vst v63  }
0x82: {  	_ =	swait.ge [sflag:s22], $0x4000  }
0x83: {  	[sflag:s22] =	ssyncset.done $0x0  }
0x84: {  	s28 =	simm.s32 $0x1480;
	[sflag:s22] =	ssyncadd.s32 $0xFFFFC000  }
0x85: {  	[spmem:s1] =	stream.indirect.scatter.add.f32 [tilespmem:s20], [sflag:$0x4], $0x80, s28, s19, $0xb8;
	[tilespmem:$0x1E800] =	vst v63  }
0x86: {  	_ =	swait.ge [sflag:s23], $0x4000  }
0x87: {  	[sflag:s23] =	ssyncset.done $0x0  }
0x88: {  	s28 =	simm.s32 $0x100;
	[sflag:s23] =	ssyncadd.s32 $0xFFFFC000  }
0x89: {  	[tilespmem:s16], [sflag:$0x1] =	stream.indirect.gather [hbm4b:s5+s19], $0x80, s28, s19, $0xb8;
	[tilespmem:$0x1E800] =	vst v63  }
0x8a: {  	_ =	swait.ge [sflag:s24], $0x4000  }
0x8b: {  	[sflag:s24] =	ssyncset.done $0x0  }
0x8c: {  	s29 =	simm.s32 $0x180;
	s28 =	simm.s32 $0x400;
	[sflag:s24] =	ssyncadd.s32 $0xFFFFC000  }
.LBB2_6:
0x8d: {  	[tilespmem:s20], [sflag:$0x2] =	stream.indirect.gather [hbm4b:s5+s19], $0x80, s29, s19, $0xb8;
	[tilespmem:$0x1E800] =	vst v63  }
0x8e: {  	s29 =	smov.u32 s28  }
0x8f: {  	p0 =	sne.s32 s28, $0x4800;
	s28 =	sadd.s32 $0x400, s28;
	_ =	swait.ge [sflag:s21], $0x4000  }
0x90: {  	s29 =	sshra.s32 s29, $0x2;
	[sflag:s21] =	ssyncset.done $0x0  }
0x91: {  	s30 =	sadd.s32 $0x1400, s29;
	[sflag:s21] =	ssyncadd.s32 $0xFFFFC000  }
0x92: {  	[spmem:s1] =	stream.indirect.scatter.add.f32 [tilespmem:s16], [sflag:$0x3], $0x80, s30, s19, $0xb8;
	[tilespmem:$0x1E800] =	vst v63  }
0x93: {  	_ =	swait.ge [sflag:s22], $0x4000  }
0x94: {  	[sflag:s22] =	ssyncset.done $0x0  }
0x95: {  	s30 =	sadd.s32 $0x1480, s29;
	[sflag:s22] =	ssyncadd.s32 $0xFFFFC000  }
0x96: {  	[spmem:s1] =	stream.indirect.scatter.add.f32 [tilespmem:s20], [sflag:$0x4], $0x80, s30, s19, $0xb8;
	[tilespmem:$0x1E800] =	vst v63  }
0x97: {  	_ =	swait.ge [sflag:s23], $0x4000  }
0x98: {  	[sflag:s23] =	ssyncset.done $0x0  }
.Ltmp2:
0x99: {  	s30 =	sadd.s32 $0x100, s29;
	[sflag:s23] =	ssyncadd.s32 $0xFFFFC000;
	(pc) =	sbr.rel @p0 .LBB2_6-.Ltmp2, $4  }
0x9a: {  	[tilespmem:s16], [sflag:$0x1] =	stream.indirect.gather [hbm4b:s5+s19], $0x80, s30, s19, $0xb8;
	[tilespmem:$0x1E800] =	vst v63  }
0x9b: {  	_ =	swait.ge [sflag:s24], $0x4000  }
0x9c: {  	[sflag:s24] =	ssyncset.done $0x0  }
0x9d: {  	s29 =	sadd.s32 $0x180, s29;
	[sflag:s24] =	ssyncadd.s32 $0xFFFFC000  }
0x9e: {  	[tilespmem:s20], [sflag:$0x2] =	stream.indirect.gather [hbm4b:s5+s19], $0x80, s29, s19, $0xb8;
	[tilespmem:$0x1E800] =	vst v63  }
0x9f: {  	_ =	swait.ge [sflag:s21], $0x4000  }
0xa0: {  	[sflag:s21] =	ssyncset.done $0x0  }
0xa1: {  	[sflag:s21] =	ssyncadd.s32 $0xFFFFC000  }
0xa2: {  	[spmem:s1] =	stream.indirect.scatter.add.f32 [tilespmem:s16], [sflag:$0x3], $0x80, s25, s19, $0xb8;
	[tilespmem:$0x1E800] =	vst v63  }
0xa3: {  	_ =	swait.ge [sflag:s22], $0x4000  }
0xa4: {  	[sflag:s22] =	ssyncset.done $0x0  }
0xa5: {  	[sflag:s22] =	ssyncadd.s32 $0xFFFFC000  }
0xa6: {  	[spmem:s1] =	stream.indirect.scatter.add.f32 [tilespmem:s20], [sflag:$0x4], $0x80, s26, s19, $0xb8;
	[tilespmem:$0x1E800] =	vst v63  }
0xa7: {  	_ =	swait.ge [sflag:s23], $0x4000  }
0xa8: {  	[sflag:s23] =	ssyncset.done $0x0  }
0xa9: {  	[sflag:s23] =	ssyncadd.s32 $0xFFFFC000  }
0xaa: {  	_ =	swait.ge [sflag:s24], $0x4000  }
0xab: {  	s28 =	sshll.u32 s2, $0x6;
	s3 =	sadd.s32 $0x1, s3;
	[sflag:s24] =	ssyncset.done $0x0  }
0xac: {  	s31 =	sshrl.u32 s4, $0x3;
	p0 =	sne.s32 s3, s7;
	[sflag:s24] =	ssyncadd.s32 $0xFFFFC000  }
.Ltmp3:
0xad: {  	s28 =	sor.u32 $0x1C05, s28;
	[bflag:$0x0] =	sbarrier.arrive $0xFFFF;
	(pc) =	sbr.rel @p0 .LBB2_1-.Ltmp3, $4  }
0xae: {  	[hbm:s6], [sflag:s28] =	dma.local [spmem:s31], $0x2800  }
0xaf: {  	_ =	swait.ge [sflag:s17], $0x2800  }
0xb0: {  	[sflag:s17] =	ssyncset.done $0x0  }
0xb1: {  	[sflag:s17] =	ssyncadd.s32 $0xFFFFD800  }
0xb2: {  	_ =	sfence.sel $0x180000  }
0xb3: {  	[bflag:$0x0] =	sbarrier.arrive $0xFFFF  }
0xb4: {  	p0 =	sne.s32 s2, $0x0;
	_ =	strace $0x9000004A  }
0xb5: {  	s0 =	sadd.s32 @!p0 $0x100000, s0;
	[bflag:$0x2] =	sbarrier.arrive $0xFFFF  }
0xb6: {  	[sflag:s0] =	ssyncadd.tile.s32 @!p0 $0x1;
	_ =	shalt  }
.Lfunc_end2:
_tile_overlayer_lowered:
.L_overlay_start_2:
0xb7: {  	(tag) =	ssettag $0x2  }
0xb8: {  	s0 =	rddreg [dreg:$0x0];
	s2 =	stileid.u32  }
0xb9: {  	s1 =	rddreg [dreg:$0x1];
	p0 =	sne.s32 s2, $0x0  }
0xba: {  	s3 =	rddreg [dreg:$0x2];
	[bflag:$0x3] =	sbarrier.arrive $0xFFFF;
	s2 =	simm.s32 @!p0 $0x1C05  }
0xbb: {  	[timem:s3], [sflag:s2] =	dma.local @!p0 [hbm:s0], s1  }
0xbc: {  	s0 =	simm.s32 @!p0 $0x5  }
0xbd: {  	_ =	swait.ge @!p0 [sflag:s0], s1  }
0xbe: {  	s1 =	ssub.s32 @!p0 $0x0, s1;
	[sflag:s0] =	ssyncset.done @!p0 $0x0  }
0xbf: {  	[sflag:s0] =	ssyncadd.s32 @!p0 s1  }
0xc0: {  	[bflag:$0x3] =	sbarrier.arrive $0xFFFF  }
0xc1: {  	_ =	shalt  }

// kernel: kernel.7.cloned.1.call-start
scs
__scs_entry_jumppad:
0x0: {  	(pc) =	sbr.rel $0x88, $3  }
0x1: {  	(tag) =	ssettag $0x0;
	lr =	simm.s32 $0x1  }
0x2: {  	[smem:$0x3F9D] =	sst lr;
	_ =	strace $0xD0000000  }
0x3: {  	_ = 	snop  }
0x4: {  	_ = 	snop  }
0x5: {  	_ = 	snop  }
0x6: {  	_ = 	snop  }
0x7: {  	_ = 	snop  }
__scs_overlays_trampoline_lowered:
0x8: {  	[smem:$0x3FAC] =	sst s0  }
0x9: {  	[smem:$0x3FAD] =	sst s1  }
0xa: {  	[smem:$0x3FAE] =	sst s2  }
0xb: {  	[smem:$0x3FAF] =	sst s3  }
0xc: {  	[smem:$0x3FB0] =	sst s4  }
0xd: {  	[smem:$0x3FB1] =	sst s5  }
0xe: {  	[smem:$0x3FB2] =	sst s6  }
0xf: {  	[smem:$0x3FB3] =	sst s7  }
0x10: {  	[smem:$0x3FB4] =	sst s8  }
0x11: {  	[smem:$0x3FB5] =	sst s9;
	s0 =	simm.s32 @!p0 $0x0  }
0x12: {  	s1 =	sld [smem:$0x3F9B];
	s0 =	simm.s32 @p0 $0x1  }
0x13: {  	[smem:$0x3FB6] =	sst s0;
	s0 =	simm.s32 @!p1 $0x0  }
0x14: {  	s2 =	sld [smem:$0x3F9A];
	s0 =	simm.s32 @p1 $0x1  }
0x15: {  	[smem:$0x3FB7] =	sst s0;
	s0 =	simm.s32 @!p2 $0x0  }
0x16: {  	s3 =	sld [smem:$0x3FDB];
	s0 =	simm.s32 @p2 $0x1  }
0x17: {  	s4 =	simm.s32 $0x1BF5;
	[smem:$0x3FB9] =	sst s0  }
0x18: {  	s0 =	sld [smem:$0x3F9C];
	_ =	swait.ge [sflag:s4], $0x0  }
0x19: {  	s7 =	sld [smem:$0x3F9D]  }
0x1a: {  	s8 =	sadd.s32 $0xFFFFE003, lr  }
0x1b: {  	s9 =	sadd.s32 $0xFFFFFEF7, lr;
	s5 =	simm.s32 $0xFFFFFFFF;
	p2 =	slt.u32 s8, $0xFFFFF086  }
0x1c: {  	p1 =	slt.u32 s9, $0xF7A;
	s5 =	simm.s32 @!p2 $0x0  }
0x1d: {  	s5 =	simm.s32 @p1 $0x1;
	p0 =	seq.s32 s7, s2  }
0x1e: {  	s7 =	smul.u32 @!p0 $0xF7A, s2;
	p2 =	seq.s32 @!p0 s5, $0x0  }
0x1f: {  	s9 =	smul.u32 $0xF7A, s1;
	s8 =	simm.s32 @!p0 $0x1BF5;
	p2 =	por !p2, p0  }
0x20: {  	[sflag:s8] =	ssyncset.s32 @!p0 $0xFFFFF086;
	s6 =	sadd.s32 @!p0 s3, s7;
	s7 =	simm.s32 @!p0 $0x108  }
0x21: {  	s3 =	sadd.s32 s3, s9;
	s6 =	sadd.s32 @!p0 $0x88, s6;
	s7 =	simm.s32 @p2 $0x1082  }
0x22: {  	[simem:s7], [sflag:s8] =	dma.local @!p0 [hbm:s6], $0xF7A  }
0x23: {  	s9 =	sor.u32 $0xD0000000, s2;
	s6 =	simm.s32 $0x108;
	_ =	swait.ge @!p0 [sflag:s8], $0x0  }
0x24: {  	s3 =	sadd.s32 $0x88, s3;
	s6 =	simm.s32 @!p1 $0x1082;
	[sflag:s4] =	ssyncset.s32 $0xFFFFF086  }
0x25: {  	[simem:s6], [sflag:s4] =	dma.local [hbm:s3], $0xF7A  }
0x26: {  	[smem:$0x3F9D] =	sst s1;
	(tag) =	ssettag s2;
	_ =	strace s9  }
0x27: {  	s1 =	sld [smem:$0x3FAD]  }
0x28: {  	s2 =	sld [smem:$0x3FAE]  }
0x29: {  	s4 =	sld [smem:$0x3FB0]  }
0x2a: {  	p0 =	seq.s32 s5, $0x0;
	s5 =	sld [smem:$0x3FB1]  }
0x2b: {  	s6 =	sld [smem:$0x3FB2]  }
0x2c: {  	s7 =	sld [smem:$0x3FB3]  }
0x2d: {  	s3 =	simm.s32 $0x108;
	s8 =	sld [smem:$0x3FB4]  }
0x2e: {  	s3 =	simm.s32 @!p0 $0x1082;
	s9 =	sld [smem:$0x3FB5]  }
0x2f: {  	lr =	sadd.s32 s0, s3;
	s0 =	sld [smem:$0x3FAC]  }
0x30: {  	s3 =	sld [smem:$0x3FAF]  }
0x31: {  	[smem:$0x3FB8] =	sst s10  }
0x32: {  	s10 =	sld [smem:$0x3FB6];
	_ =	sdelay $0x3  }
0x33: {  	p0 =	seq.s32 s10, $0x1;
	s10 =	sld [smem:$0x3FB8];
	_ =	sdelay $0x3  }
0x34: {  	[smem:$0x3FB8] =	sst s10  }
0x35: {  	s10 =	sld [smem:$0x3FB7];
	_ =	sdelay $0x3  }
0x36: {  	p1 =	seq.s32 s10, $0x1;
	s10 =	sld [smem:$0x3FB8];
	_ =	sdelay $0x3  }
0x37: {  	[smem:$0x3FB8] =	sst s10  }
0x38: {  	s10 =	sld [smem:$0x3FB9]  }
0x39: {  	_ = 	snop;
	(pc) =	sbr.ind lr, $3  }
0x3a: {  	_ = 	snop  }
0x3b: {  	_ = 	snop  }
0x3c: {  	p2 =	seq.s32 s10, $0x1;
	s10 =	sld [smem:$0x3FB8]  }
0x3d: {  	_ =	shalt  }
0x3e: {  	_ =	shalt  }
0x3f: {  	_ =	shalt  }
0x40: {  	_ =	shalt  }
0x41: {  	_ =	shalt  }
0x42: {  	_ =	shalt  }
0x43: {  	_ =	shalt  }
0x44: {  	_ =	shalt  }
0x45: {  	_ =	shalt  }
0x46: {  	_ =	shalt  }
0x47: {  	_ =	shalt  }
0x48: {  	_ =	shalt  }
0x49: {  	_ =	shalt  }
0x4a: {  	_ =	shalt  }
0x4b: {  	_ =	shalt  }
0x4c: {  	_ =	shalt  }
0x4d: {  	_ =	shalt  }
0x4e: {  	_ =	shalt  }
0x4f: {  	_ =	shalt  }
0x50: {  	_ =	shalt  }
0x51: {  	_ =	shalt  }
0x52: {  	_ =	shalt  }
0x53: {  	_ =	shalt  }
0x54: {  	_ =	shalt  }
0x55: {  	_ =	shalt  }
0x56: {  	_ =	shalt  }
0x57: {  	_ =	shalt  }
0x58: {  	_ =	shalt  }
0x59: {  	_ =	shalt  }
0x5a: {  	_ =	shalt  }
0x5b: {  	_ =	shalt  }
0x5c: {  	_ =	shalt  }
0x5d: {  	_ =	shalt  }
0x5e: {  	_ =	shalt  }
0x5f: {  	_ =	shalt  }
0x60: {  	_ =	shalt  }
0x61: {  	_ =	shalt  }
0x62: {  	_ =	shalt  }
0x63: {  	_ =	shalt  }
0x64: {  	_ =	shalt  }
0x65: {  	_ =	shalt  }
0x66: {  	_ =	shalt  }
0x67: {  	_ =	shalt  }
0x68: {  	_ =	shalt  }
0x69: {  	_ =	shalt  }
0x6a: {  	_ =	shalt  }
0x6b: {  	_ =	shalt  }
0x6c: {  	_ =	shalt  }
0x6d: {  	_ =	shalt  }
0x6e: {  	_ =	shalt  }
0x6f: {  	_ =	shalt  }
0x70: {  	_ =	shalt  }
0x71: {  	_ =	shalt  }
0x72: {  	_ =	shalt  }
0x73: {  	_ =	shalt  }
0x74: {  	_ =	shalt  }
0x75: {  	_ =	shalt  }
0x76: {  	_ =	shalt  }
0x77: {  	_ =	shalt  }
0x78: {  	_ =	shalt  }
0x79: {  	_ =	shalt  }
0x7a: {  	_ =	shalt  }
0x7b: {  	_ =	shalt  }
0x7c: {  	_ =	shalt  }
0x7d: {  	_ =	shalt  }
0x7e: {  	_ =	shalt  }
0x7f: {  	_ =	shalt  }
0x80: {  	_ =	shalt  }
0x81: {  	_ =	shalt  }
0x82: {  	_ =	shalt  }
0x83: {  	_ =	shalt  }
0x84: {  	_ =	shalt  }
0x85: {  	_ =	shalt  }
0x86: {  	_ =	shalt  }
0x87: {  	_ =	shalt  }
.Lfunc_end0:
.L_simem_size_0:
called_computation_lowered:
.L_overlay_start_0:
0x88: {  	s2 =	sld [smem:$0x3FD9]  }
0x89: {  	s3 =	sld [smem:$0x3FFE];
	_ =	sdelay $0x1  }
0x8a: {  	s1 =	srdreg.scid  }
0x8b: {  	s0 =	sand.u32 $0x1, s1  }
0x8c: {  	s16 =	sshll.u32 s0, $0xA;
	s2 =	sadd.s32 s3, s2  }
0x8d: {  	s2 =	sadd.s32 s2, s16  }
0x8e: {  	[smem:$0x3FC4] =	sst s2  }
0x8f: {  	_ = 	snop  }
0x90: {  	(tm) =	ssettm $0x1  }
0x91: {  	s17 =	sld [smem:$0x3FFB];
	_ =	sdelay $0x3  }
0x92: {  	_ =	strace s17  }
0x93: {  	s2 =	sld [smem:$0x3FFC];
	_ =	sdelay $0x3  }
0x94: {  	_ =	strace s2  }
0x95: {  	s2 =	sld [smem:$0x3FFD];
	_ =	sdelay $0x3  }
0x96: {  	_ =	strace s2  }
0x97: {  	_ =	strace $0x8FFFFFFF  }
0x98: {  	s18 =	sld [smem:$0x3FDB];
	_ =	sdelay $0x1  }
0x99: {  	s19 =	simm.s32 $_scs_section_size  }
0x9a: {  	s4 =	simm.s32 $_size__tile_overlayer_lowered;
	s5 =	simm.s32 $_tile_overlayer_lowered  }
0x9b: {  	s22 =	simm.s32 $0x1BFF;
	s21 =	sshll.u32 s5, $0x1;
	s2 =	sadd.s32 s19, s18  }
0x9c: {  	s6 =	simm.s32 $0x0;
	s20 =	sshll.u32 s4, $0x1;
	s4 =	sadd.s32 s21, s2  }
0x9d: {  	[timem:s6], [sflag:s22] =	dma.local [hbm:s4], s20  }
0x9e: {  	_ =	swait.ge [sflag:s22], s20  }
0x9f: {  	s3 =	ssub.s32 $0x0, s20;
	[sflag:s22] =	ssyncset.done $0x0  }
0xa0: {  	[sflag:s22] =	ssyncadd.s32 s3;
	_ =	sdelay $0x1  }
0xa1: {  	s23 =	simm.s32 $0x1B8B  }
0xa2: {  	_ =	swait.ge [sflag:s23], $0x1  }
0xa3: {  	[sflag:s23] =	ssyncset.done $0x0  }
0xa4: {  	s25 =	simm.s32 $0x1B8E;
	s24 =	sld [smem:$0x3FFE];
	[sflag:s23] =	ssyncadd.s32 $0xFFFFFFFF  }
0xa5: {  	s26 =	simm.s32 $execute0_lowered;
	[smem:$0x3FD2] =	sst s25  }
0xa6: {  	s4 =	sshll.u32 s26, $0x1;
	_ =	strace $0x80000046;
	[dreg:$0x1] =	wrdreg $0xFFFFFFFF  }
0xa7: {  	s28 =	simm.s32 $_size_execute0_lowered;
	s2 =	sadd.s32 s2, s4;
	[dreg:$0x0] =	wrdreg $0x0  }
0xa8: {  	s4 =	sshll.u32 s28, $0x1;
	[dreg:$0x2] =	wrdreg s2  }
0xa9: {  	[dreg:$0x3] =	wrdreg s4  }
0xaa: {  	[dreg:$0x4] =	wrdreg $0xC0  }
0xab: {  	_ =	task [dreg:s6], $0x5FFFF  }
0xac: {  	[dreg:$0x1] =	wrdreg $0xFFFFFFFF  }
0xad: {  	[dreg:$0x0] =	wrdreg $0x60  }
0xae: {  	[dreg:$0x2] =	wrdreg s24  }
0xaf: {  	[dreg:$0x3] =	wrdreg $0x81000  }
0xb0: {  	[dreg:$0x4] =	wrdreg $0x9  }
0xb1: {  	_ =	task.clear_ibuf [dreg:s6], $0x5FFFF;
	_ =	strace $0x90000046  }
0xb2: {  	s29 =	simm.s32 $0x9;
	_ =	strace $0x80000048  }
0xb3: {  	_ =	swait.ge [sflag:s29], $0x1  }
0xb4: {  	[sflag:s29] =	ssyncadd.s32 $0xFFFFFFFF  }
0xb5: {  	_ =	strace $0x90000048  }
0xb6: {  	_ =	sfence  }
0xb7: {  	s30 =	sld [smem:$0x0];
	_ =	sdelay $0x2  }
0xb8: {  	s31 =	sshll.u32 s1, $0xD;
	s1 =	sshrl.u32 s1, $0x2  }
0xb9: {  	s3 =	sand.u32 $0x4000, s31;
	s1 =	sadd.s32 s1, s30  }
0xba: {  	s0 =	sor.u32 s3, s0;
	s1 =	sshll.u32 s1, $0x11  }
0xbb: {  	s0 =	sor.u32 s1, s0  }
0xbc: {  	s0 =	sadd.s32 $0x8F2B, s0  }
0xbd: {  	[sflag:s0] =	ssyncadd.remote.s32 $0x1  }
0xbe: {  	_ =	sfence.sel $0xFFFF  }
0xbf: {  	[dreg:$0x0] =	wrdreg $0xFFFFFFFF;
	(pc) =	sbr.abs _section_cstart, $3  }
0xc0: {  	[dreg:$0x1] =	wrdreg $0xFFFFFFFF  }
0xc1: {  	_ =	task.clear_ibuf [dreg:s6], $0x2FFFF;
	_ =	strace $0x9FFFFFFF  }
0xc2: {  	(tm) =	ssettm $0x7FFFFFFF  }
0xc3: {  	_ =	shalt  }
tec
execute0_lowered:
.L_overlay_start_1:
0x0: {  	(tag) =	ssettag $0x1  }
0x1: {  	s3 =	rddreg [dreg:$0x0]  }
0x2: {  	s5 =	rddreg [dreg:$0x1]  }
0x3: {  	s1 =	srdreg.scid;
	s0 =	rddreg [dreg:$0x2]  }
0x4: {  	s2 =	simm.s32 $0x0;
	s12 =	simm.s32 $0x1;
	s13 =	simm.s32 $0x1400  }
0x5: {  	s14 =	simm.s32 $0x80;
	s15 =	simm.s32 $0x400;
	s16 =	simm.s32 $0x3E80  }
0x6: {  	s17 =	simm.s32 $0x3C00;
	s18 =	simm.s32 $0x4100;
	s4 =	sand.u32 $0x1, s1  }
0x7: {  	s19 =	simm.s32 $0x0;
	s1 =	stileid.u32;
	s6 =	smul.u32 $0x140000, s4  }
0x8: {  	[smem:$0x7FF] =	sst s2;
	s7 =	sshll.u32 s4, $0x4;
	s8 =	smul.u32 $0x14000, s1  }
0x9: {  	_ =	strace $0x80000047;
	s25 =	sshrl.u32 s1, $0x3;
	s4 =	ssub.s32 $0x2, s4  }
0xa: {  	s28 =	sshll.u32 s1, $0x7;
	s9 =	smul.u32 $0x5000, s1;
	s7 =	sor.u32 s1, s7  }
0xb: {  	s26 =	sshrl.u32 s4, $0x1;
	s29 =	sand.u32 $0x380, s28;
	s7 =	smul.u32 $0x280, s7  }
0xc: {  	v0 =	vlaneseq.u32;
	s6 =	sadd.s32 s8, s6;
	s8 =	smul.u32 $0x50000, s25;
	s10 =	ssub.s32 s4, s26  }
0xd: {  	v0 =	vmul.u32 $0x80, v0;
	s31 =	sshrl.u32 s9, $0x2;
	s6 =	sshrl.u32 s6, $0x3;
	s7 =	sadd.s32 s7, s3  }
0xe: {  	s11 =	sadd.s32 s6, s3;
	s8 =	sshrl.u32 s8, $0x2;
	s6 =	smax.u32 s10, $0x1  }
0xf: {  	v1 =	vimm.f32 $0.0e+00;
	v2 =	vimm.f32 $1.000000000e+00;
	v3 =	vor.u32 $0x800, v0;
	s30 =	sadd.s32 s8, s5;
	s3 =	sadd.s32 $0x1800, s7;
	s5 =	sadd.s32 s31, s5  }
0x10: {  	v4 =	vor.u32 $0x1000, v0;
	v5 =	vor.u32 $0x1800, v0;
	v6 =	vor.u32 $0x2000, v0;
	s7 =	sadd.s32 $0xB800, s11;
	s8 =	sadd.s32 $0xC000, s11;
	s9 =	sadd.s32 $0xC800, s11  }
0x11: {  	v7 =	vor.u32 $0x2800, v0;
	v8 =	vor.u32 $0x3000, v0;
	v9 =	vor.u32 $0x3800, v0;
	s10 =	sadd.s32 $0xD000, s11;
	s11 =	sadd.s32 $0xD800, s11;
	s4 =	sadd.s32 s29, s30  }
.LBB2_1:
0x12: {  	s20 =	simm.s32 $0x40;
	s21 =	simm.s32 $0x0  }
.LBB2_2:
0x13: {  	p0 =	sne.s32 s20, $0x9FC0;
	[tilespmem:s21+$0x1400] =	vst v1;
	s21 =	smov.u32 s20;
	s20 =	sadd.s32 $0x40, s20  }
.Ltmp0:
0x14: {  	(pc) =	sbr.rel @p0 .LBB2_2-.Ltmp0, $2  }
0x15: {  	_ =	sdelay $0x2  }
0x16: {  	s21 =	sshra.s32 s21, $0x2  }
0x17: {  	[tilespmem:s21+$0x1400] =	vst v1  }
0x18: {  	[tilespmem:s2], [sflag:$0x1] =	stream.linear.gather [hbm4b:s3+s2], $0x1400, $0x38;
	[tilespmem:$0xA900] =	vst v63  }
0x19: {  	_ =	swait.ge [sflag:s12], $0x1400  }
0x1a: {  	[sflag:s12] =	ssyncset.done $0x0  }
0x1b: {  	s20 =	simm.s32 $0x1C0;
	[sflag:s12] =	ssyncadd.s32 $0xFFFFEC00  }
.LBB2_4:
0x1c: {  	s21 =	sshra.s32 s20, $0x2  }
0x1d: {  	v10 =	vld [tilespmem:s21+$0xFFFFFF90];
	_ =	sdelay $0x7  }
0x1e: {  	[tilespmem:v10+s13+$0x0] =	vst.idx.add.f32.msk $0xffff, v2  }
0x1f: {  	v10 =	vld [tilespmem:s21+$0xFFFFFFA0];
	_ =	sdelay $0x7  }
0x20: {  	[tilespmem:v10+s13+$0x0] =	vst.idx.add.f32.msk $0xffff, v2  }
0x21: {  	v10 =	vld [tilespmem:s21+$0xFFFFFFB0];
	_ =	sdelay $0x7  }
0x22: {  	[tilespmem:v10+s13+$0x0] =	vst.idx.add.f32.msk $0xffff, v2  }
0x23: {  	v10 =	vld [tilespmem:s21+$0xFFFFFFC0];
	_ =	sdelay $0x7  }
0x24: {  	[tilespmem:v10+s13+$0x0] =	vst.idx.add.f32.msk $0xffff, v2  }
0x25: {  	v10 =	vld [tilespmem:s21+$0xFFFFFFD0];
	_ =	sdelay $0x7  }
0x26: {  	[tilespmem:v10+s13+$0x0] =	vst.idx.add.f32.msk $0xffff, v2  }
0x27: {  	v10 =	vld [tilespmem:s21+$0xFFFFFFE0];
	_ =	sdelay $0x7  }
0x28: {  	[tilespmem:v10+s13+$0x0] =	vst.idx.add.f32.msk $0xffff, v2  }
0x29: {  	v10 =	vld [tilespmem:s21+$0xFFFFFFF0];
	_ =	sdelay $0x7  }
0x2a: {  	[tilespmem:v10+s13+$0x0] =	vst.idx.add.f32.msk $0xffff, v2  }
0x2b: {  	v10 =	vld [tilespmem:s21+$0x0];
	_ =	sdelay $0x2  }
0x2c: {  	p0 =	sne.s32 s20, $0x4FC0  }
.Ltmp1:
0x2d: {  	_ = 	snop;
	(pc) =	sbr.rel @p0 .LBB2_4-.Ltmp1, $2  }
0x2e: {  	_ =	sdelay $0x2  }
0x2f: {  	s20 =	sadd.s32 $0x200, s20;
	[tilespmem:v10+s13+$0x0] =	vst.idx.add.f32.msk $0xffff, v2  }
0x30: {  	[spmem:s4] =	stream.strided.scatter [tilespmem:s13], [sflag:$0x1], $0x2800, s15, s14, $0x38;
	[tilespmem:$0xA900] =	vst v63  }
0x31: {  	_ =	swait.ge [sflag:s12], $0x2800  }
0x32: {  	[sflag:s12] =	ssyncset.done $0x0  }
0x33: {  	[sflag:s12] =	ssyncadd.s32 $0xFFFFD800  }
0x34: {  	[bflag:$0x0] =	sbarrier.arrive $0xFFFF  }
0x35: {  	[tilespmem:s16], [sflag:$0x1] =	stream.strided.gather [spmem:s5], $0x280, s15, s14, $0x38;
	[tilespmem:$0xA900] =	vst v63  }
0x36: {  	_ =	swait.ge [sflag:s12], $0x280  }
0x37: {  	[sflag:s12] =	ssyncset.done $0x0  }
0x38: {  	s20 =	simm.s32 $0x0;
	[sflag:s12] =	ssyncadd.s32 $0xFFFFFD80  }
.LBB2_6:
0x39: {  	s20 =	sadd.s32 $0x1, s20  }
0x3a: {  	s21 =	sshrl.u32 s20, $0x3  }
0x3b: {  	s21 =	smul.u32 $0x50000, s21;
	_ =	sdelay $0x1  }
0x3c: {  	s22 =	sshll.u32 s20, $0x7;
	s21 =	sshra.s32 s21, $0x2  }
0x3d: {  	s22 =	sand.u32 $0x380, s22;
	s21 =	sadd.s32 s21, s5  }
0x3e: {  	s21 =	sadd.s32 s22, s21  }
0x3f: {  	[tilespmem:s17], [sflag:$0x1] =	stream.strided.gather [spmem:s21], $0x280, s15, s14, $0x38;
	[tilespmem:$0xA900] =	vst v63  }
0x40: {  	_ =	swait.ge [sflag:s12], $0x280  }
0x41: {  	[sflag:s12] =	ssyncset.done $0x0  }
0x42: {  	s21 =	simm.s32 $0x0;
	[sflag:s12] =	ssyncadd.s32 $0xFFFFFD80  }
0x43: {  	s22 =	simm.s32 $0x40;
	v10 =	vld [tilespmem:s21+$0x3C00]  }
.LBB2_7:
0x44: {  	p0 =	seq.s32 s22, $0x9C0;
	v11 =	vld [tilespmem:s21+$0x3E80];
	_ =	sdelay $0x2  }
.Ltmp2:
0x45: {  	(pc) =	sbr.rel @!p0 .LBB2_7-.Ltmp2, $4  }
0x46: {  	_ = 	snop  }
0x47: {  	v11 =	vadd.f32 v10, v11  }
0x48: {  	s23 =	sshra.s32 s22, $0x2  }
0x49: {  	s22 =	sadd.s32 $0x40, s22;
	v10 =	vld [tilespmem:s23+$0x3C00];
	[tilespmem:s21+$0x3E80] =	vst v11;
	s21 =	smov.u32 s23  }
0x4a: {  	v11 =	vld [tilespmem:s21+$0x3E80];
	_ =	sdelay $0x1  }
0x4b: {  	p0 =	sne.s32 s20, $0xF  }
.Ltmp3:
0x4c: {  	_ = 	snop;
	(pc) =	sbr.rel @p0 .LBB2_6-.Ltmp3, $3  }
0x4d: {  	_ = 	snop  }
0x4e: {  	v10 =	vadd.f32 v10, v11;
	_ =	sdelay $0x1  }
0x4f: {  	[tilespmem:s21+$0x3E80] =	vst v10  }
0x50: {  	v10 =	vld [tilespmem:$0x3E80];
	_ =	sdelay $0x4  }
0x51: {  	[tilespmem:v0+s18+$0x0] =	vst.idx.msk $0xffff, v10  }
0x52: {  	v10 =	vld [tilespmem:$0x3E90];
	_ =	sdelay $0x4  }
0x53: {  	[tilespmem:v3+s18+$0x0] =	vst.idx.msk $0xffff, v10  }
0x54: {  	v10 =	vld [tilespmem:$0x3EA0];
	_ =	sdelay $0x4  }
0x55: {  	[tilespmem:v4+s18+$0x0] =	vst.idx.msk $0xffff, v10  }
0x56: {  	v10 =	vld [tilespmem:$0x3EB0];
	_ =	sdelay $0x4  }
0x57: {  	[tilespmem:v5+s18+$0x0] =	vst.idx.msk $0xffff, v10  }
0x58: {  	v10 =	vld [tilespmem:$0x3EC0];
	_ =	sdelay $0x4  }
0x59: {  	[tilespmem:v6+s18+$0x0] =	vst.idx.msk $0xffff, v10  }
0x5a: {  	v10 =	vld [tilespmem:$0x3ED0];
	_ =	sdelay $0x4  }
0x5b: {  	[tilespmem:v7+s18+$0x0] =	vst.idx.msk $0xffff, v10  }
0x5c: {  	v10 =	vld [tilespmem:$0x3EE0];
	_ =	sdelay $0x4  }
0x5d: {  	[tilespmem:v8+s18+$0x0] =	vst.idx.msk $0xffff, v10  }
0x5e: {  	v10 =	vld [tilespmem:$0x3EF0];
	_ =	sdelay $0x4  }
0x5f: {  	[tilespmem:v9+s18+$0x0] =	vst.idx.msk $0xffff, v10  }
0x60: {  	[hbm4b:s7+s2] =	stream.linear.scatter [tilespmem:s18], [sflag:$0x1], $0x4000, $0x38;
	[tilespmem:$0xA900] =	vst v63  }
0x61: {  	_ =	swait.ge [sflag:s12], $0x4000  }
0x62: {  	[sflag:s12] =	ssyncset.done $0x0  }
0x63: {  	[sflag:s12] =	ssyncadd.s32 $0xFFFFC000  }
0x64: {  	v10 =	vld [tilespmem:$0x3F00];
	_ =	sdelay $0x4  }
0x65: {  	[tilespmem:v0+s18+$0x0] =	vst.idx.msk $0xffff, v10  }
0x66: {  	v10 =	vld [tilespmem:$0x3F10];
	_ =	sdelay $0x4  }
0x67: {  	[tilespmem:v3+s18+$0x0] =	vst.idx.msk $0xffff, v10  }
0x68: {  	v10 =	vld [tilespmem:$0x3F20];
	_ =	sdelay $0x4  }
0x69: {  	[tilespmem:v4+s18+$0x0] =	vst.idx.msk $0xffff, v10  }
0x6a: {  	v10 =	vld [tilespmem:$0x3F30];
	_ =	sdelay $0x4  }
0x6b: {  	[tilespmem:v5+s18+$0x0] =	vst.idx.msk $0xffff, v10  }
0x6c: {  	v10 =	vld [tilespmem:$0x3F40];
	_ =	sdelay $0x4  }
0x6d: {  	[tilespmem:v6+s18+$0x0] =	vst.idx.msk $0xffff, v10  }
0x6e: {  	v10 =	vld [tilespmem:$0x3F50];
	_ =	sdelay $0x4  }
0x6f: {  	[tilespmem:v7+s18+$0x0] =	vst.idx.msk $0xffff, v10  }
0x70: {  	v10 =	vld [tilespmem:$0x3F60];
	_ =	sdelay $0x4  }
0x71: {  	[tilespmem:v8+s18+$0x0] =	vst.idx.msk $0xffff, v10  }
0x72: {  	v10 =	vld [tilespmem:$0x3F70];
	_ =	sdelay $0x4  }
0x73: {  	[tilespmem:v9+s18+$0x0] =	vst.idx.msk $0xffff, v10  }
0x74: {  	[hbm4b:s8+s2] =	stream.linear.scatter [tilespmem:s18], [sflag:$0x1], $0x4000, $0x38;
	[tilespmem:$0xA900] =	vst v63  }
0x75: {  	_ =	swait.ge [sflag:s12], $0x4000  }
0x76: {  	[sflag:s12] =	ssyncset.done $0x0  }
0x77: {  	[sflag:s12] =	ssyncadd.s32 $0xFFFFC000  }
0x78: {  	v10 =	vld [tilespmem:$0x3F80];
	_ =	sdelay $0x4  }
0x79: {  	[tilespmem:v0+s18+$0x0] =	vst.idx.msk $0xffff, v10  }
0x7a: {  	v10 =	vld [tilespmem:$0x3F90];
	_ =	sdelay $0x4  }
0x7b: {  	[tilespmem:v3+s18+$0x0] =	vst.idx.msk $0xffff, v10  }
0x7c: {  	v10 =	vld [tilespmem:$0x3FA0];
	_ =	sdelay $0x4  }
0x7d: {  	[tilespmem:v4+s18+$0x0] =	vst.idx.msk $0xffff, v10  }
0x7e: {  	v10 =	vld [tilespmem:$0x3FB0];
	_ =	sdelay $0x4  }
0x7f: {  	[tilespmem:v5+s18+$0x0] =	vst.idx.msk $0xffff, v10  }
0x80: {  	v10 =	vld [tilespmem:$0x3FC0];
	_ =	sdelay $0x4  }
0x81: {  	[tilespmem:v6+s18+$0x0] =	vst.idx.msk $0xffff, v10  }
0x82: {  	v10 =	vld [tilespmem:$0x3FD0];
	_ =	sdelay $0x4  }
0x83: {  	[tilespmem:v7+s18+$0x0] =	vst.idx.msk $0xffff, v10  }
0x84: {  	v10 =	vld [tilespmem:$0x3FE0];
	_ =	sdelay $0x4  }
0x85: {  	[tilespmem:v8+s18+$0x0] =	vst.idx.msk $0xffff, v10  }
0x86: {  	v10 =	vld [tilespmem:$0x3FF0];
	_ =	sdelay $0x4  }
0x87: {  	[tilespmem:v9+s18+$0x0] =	vst.idx.msk $0xffff, v10  }
0x88: {  	[hbm4b:s9+s2] =	stream.linear.scatter [tilespmem:s18], [sflag:$0x1], $0x4000, $0x38;
	[tilespmem:$0xA900] =	vst v63  }
0x89: {  	_ =	swait.ge [sflag:s12], $0x4000  }
0x8a: {  	[sflag:s12] =	ssyncset.done $0x0  }
0x8b: {  	[sflag:s12] =	ssyncadd.s32 $0xFFFFC000  }
0x8c: {  	v10 =	vld [tilespmem:$0x4000];
	_ =	sdelay $0x4  }
0x8d: {  	[tilespmem:v0+s18+$0x0] =	vst.idx.msk $0xffff, v10  }
0x8e: {  	v10 =	vld [tilespmem:$0x4010];
	_ =	sdelay $0x4  }
0x8f: {  	[tilespmem:v3+s18+$0x0] =	vst.idx.msk $0xffff, v10  }
0x90: {  	v10 =	vld [tilespmem:$0x4020];
	_ =	sdelay $0x4  }
0x91: {  	[tilespmem:v4+s18+$0x0] =	vst.idx.msk $0xffff, v10  }
0x92: {  	v10 =	vld [tilespmem:$0x4030];
	_ =	sdelay $0x4  }
0x93: {  	[tilespmem:v5+s18+$0x0] =	vst.idx.msk $0xffff, v10  }
0x94: {  	v10 =	vld [tilespmem:$0x4040];
	_ =	sdelay $0x4  }
0x95: {  	[tilespmem:v6+s18+$0x0] =	vst.idx.msk $0xffff, v10  }
0x96: {  	v10 =	vld [tilespmem:$0x4050];
	_ =	sdelay $0x4  }
0x97: {  	[tilespmem:v7+s18+$0x0] =	vst.idx.msk $0xffff, v10  }
0x98: {  	v10 =	vld [tilespmem:$0x4060];
	_ =	sdelay $0x4  }
0x99: {  	[tilespmem:v8+s18+$0x0] =	vst.idx.msk $0xffff, v10  }
0x9a: {  	v10 =	vld [tilespmem:$0x4070];
	_ =	sdelay $0x4  }
0x9b: {  	[tilespmem:v9+s18+$0x0] =	vst.idx.msk $0xffff, v10  }
0x9c: {  	[hbm4b:s10+s2] =	stream.linear.scatter [tilespmem:s18], [sflag:$0x1], $0x4000, $0x38;
	[tilespmem:$0xA900] =	vst v63  }
0x9d: {  	_ =	swait.ge [sflag:s12], $0x4000  }
0x9e: {  	[sflag:s12] =	ssyncset.done $0x0  }
0x9f: {  	[sflag:s12] =	ssyncadd.s32 $0xFFFFC000  }
0xa0: {  	v10 =	vld [tilespmem:$0x4080];
	_ =	sdelay $0x4  }
0xa1: {  	[tilespmem:v0+s18+$0x0] =	vst.idx.msk $0xffff, v10  }
0xa2: {  	v10 =	vld [tilespmem:$0x4090];
	_ =	sdelay $0x4  }
0xa3: {  	[tilespmem:v3+s18+$0x0] =	vst.idx.msk $0xffff, v10  }
0xa4: {  	v10 =	vld [tilespmem:$0x40A0];
	_ =	sdelay $0x4  }
0xa5: {  	[tilespmem:v4+s18+$0x0] =	vst.idx.msk $0xffff, v10  }
0xa6: {  	v10 =	vld [tilespmem:$0x40B0];
	_ =	sdelay $0x4  }
0xa7: {  	[tilespmem:v5+s18+$0x0] =	vst.idx.msk $0xffff, v10  }
0xa8: {  	v10 =	vld [tilespmem:$0x40C0];
	_ =	sdelay $0x4  }
0xa9: {  	[tilespmem:v6+s18+$0x0] =	vst.idx.msk $0xffff, v10  }
0xaa: {  	v10 =	vld [tilespmem:$0x40D0];
	_ =	sdelay $0x4  }
0xab: {  	[tilespmem:v7+s18+$0x0] =	vst.idx.msk $0xffff, v10  }
0xac: {  	v10 =	vld [tilespmem:$0x40E0];
	_ =	sdelay $0x4  }
0xad: {  	[tilespmem:v8+s18+$0x0] =	vst.idx.msk $0xffff, v10  }
0xae: {  	v10 =	vld [tilespmem:$0x40F0];
	_ =	sdelay $0x2  }
0xaf: {  	s19 =	sadd.s32 $0x1, s19  }
0xb0: {  	p0 =	seq.s32 s19, s6  }
.Ltmp4:
0xb1: {  	[tilespmem:v9+s18+$0x0] =	vst.idx.msk $0xffff, v10;
	(pc) =	sbr.rel @!p0 .LBB2_1-.Ltmp4, $4  }
0xb2: {  	[hbm4b:s11+s2] =	stream.linear.scatter [tilespmem:s18], [sflag:$0x1], $0x4000, $0x38;
	[tilespmem:$0xA900] =	vst v63  }
0xb3: {  	_ =	swait.ge [sflag:s12], $0x4000  }
0xb4: {  	[sflag:s12] =	ssyncset.done $0x0  }
0xb5: {  	[sflag:s12] =	ssyncadd.s32 $0xFFFFC000  }
0xb6: {  	_ =	sfence.sel $0x180000  }
0xb7: {  	[bflag:$0x0] =	sbarrier.arrive $0xFFFF  }
0xb8: {  	p0 =	sne.s32 s1, $0x0;
	_ =	strace $0x90000047  }
0xb9: {  	s0 =	sadd.s32 @!p0 $0x100000, s0;
	[bflag:$0x2] =	sbarrier.arrive $0xFFFF  }
0xba: {  	[sflag:s0] =	ssyncadd.tile.s32 @!p0 $0x1;
	_ =	shalt  }
.Lfunc_end2:
_tile_overlayer_lowered:
.L_overlay_start_2:
0xbb: {  	(tag) =	ssettag $0x2  }
0xbc: {  	s0 =	rddreg [dreg:$0x0];
	s2 =	stileid.u32  }
0xbd: {  	s1 =	rddreg [dreg:$0x1];
	p0 =	sne.s32 s2, $0x0  }
0xbe: {  	s3 =	rddreg [dreg:$0x2];
	[bflag:$0x3] =	sbarrier.arrive $0xFFFF;
	s2 =	simm.s32 @!p0 $0x1C01  }
0xbf: {  	[timem:s3], [sflag:s2] =	dma.local @!p0 [hbm:s0], s1  }
0xc0: {  	s0 =	simm.s32 @!p0 $0x1  }
0xc1: {  	_ =	swait.ge @!p0 [sflag:s0], s1  }
0xc2: {  	s1 =	ssub.s32 @!p0 $0x0, s1;
	[sflag:s0] =	ssyncset.done @!p0 $0x0  }
0xc3: {  	[sflag:s0] =	ssyncadd.s32 @!p0 s1  }
0xc4: {  	[bflag:$0x3] =	sbarrier.arrive $0xFFFF  }
0xc5: {  	_ =	shalt  }

</sc_bundles>
